<compile_context>
chip_gen: v7x
topology: tpu7x:2x2x1
jax: 0.10.2.dev20260603
libtpu: 0.0.44.dev20260713+nightly
codegen_flags: <defaults>
</compile_context>

<pallas_src>
import functools

import jax
import jax.numpy as jnp
from jax import lax
from jax.experimental import pallas as pl
from jax.experimental.pallas import tpu as pltpu
from jax.experimental.pallas import tpu_sc as plsc

R1 = 64 * 64 * 64
R2 = 32 * 32 * 32
HALF = R1 // 2
CPAD = 16


def _leaky(t):
    return jnp.where(t > 0.0, t, 0.1 * t)


def _dot11(a, b):
    return lax.dot_general(a, b, (((1,), (1,)), ((), ())),
                           preferred_element_type=jnp.float32)



def _prep_body(dT_ref, dfl_ref, wi_ref, bi_ref,
               f0_ref, one_ref, i1_ref, ilo_ref, ihi_ref, i2_ref, *, n_valid):
    x = dT_ref[0:1, :]
    y = dT_ref[1:2, :]
    z = dT_ref[2:3, :]
    cx = jnp.clip(jnp.floor(x * 64.0), 0.0, 63.0).astype(jnp.int32)
    cy = jnp.clip(jnp.floor(y * 64.0), 0.0, 63.0).astype(jnp.int32)
    cz = jnp.clip(jnp.floor(z * 64.0), 0.0, 63.0).astype(jnp.int32)
    idx1 = (cx * 64 + cy) * 64 + cz
    idx2 = ((cx >> 1) * 32 + (cy >> 1)) * 32 + (cz >> 1)
    col = lax.broadcasted_iota(jnp.int32, x.shape, 1)
    m = col < n_valid
    idx1 = jnp.where(m, idx1, 0)
    f0 = (wi_ref[0, 0] * dfl_ref[0:1, :] + wi_ref[0, 1] * dfl_ref[1:2, :]
          + wi_ref[0, 2] * dfl_ref[2:3, :] + bi_ref[0, 0])
    f0_ref[...] = jnp.where(m, f0, 0.0)
    one_ref[...] = jnp.where(m, 1.0, 0.0)
    i1_ref[...] = idx1
    ilo_ref[...] = jnp.where(idx1 < HALF, idx1, HALF)
    ihi_ref[...] = jnp.where(idx1 >= HALF, idx1 - HALF, HALF)
    i2_ref[...] = jnp.where(m, idx2, 0)



def _splat_body(vals_hbm, isc_hbm, zrows_hbm, out_hbm,
                idx_v, vals_v, shared, *, nr):
    c = lax.axis_index("c")
    s = lax.axis_index("s")
    npts = nr * 128
    for h in range(2):
        pltpu.sync_copy(zrows_hbm,
                        shared.at[pl.ds(s * (HALF // 16) + h * 4096, 4096)])
    pltpu.sync_copy(isc_hbm.at[c * 16 + s], idx_v)
    pltpu.sync_copy(vals_hbm.at[pl.ds(s * npts, npts)], vals_v)
    plsc.subcore_barrier()

    def body(j, carry):
        pltpu.sync_copy(vals_v.at[pl.ds(j * 128, 128)],
                        shared.at[idx_v.at[j]], add=True)
        return carry

    lax.fori_loop(0, nr, body, 0)
    plsc.subcore_barrier()
    for h in range(2):
        pltpu.sync_copy(shared.at[pl.ds(s * (HALF // 16) + h * 4096, 4096)],
                        out_hbm.at[c].at[pl.ds(s * (HALF // 16) + h * 4096, 4096)])



def _k3a_body(parts_ref, w1r_ref, b1_ref, wf1_ref, wf2_ref,
              proj1_ref, mp_ref, cp_ref):
    q = parts_ref[...]
    s = q[:, 0:1]
    cnt1 = q[:, 1:2]
    v1 = s / jnp.maximum(cnt1, 1.0)
    L1 = _leaky(v1 * w1r_ref[...] + b1_ref[...])

    We = lax.dot_general(wf2_ref[...], wf1_ref[...], (((1,), (0,)), ((), ())),
                         preferred_element_type=jnp.float32)
    proj1_ref[...] = _dot11(L1, We[:, 0:32])

    m = cnt1 * L1
    t = m.reshape(2048, 2, 32)
    a = t[:, 0, :] + t[:, 1, :]
    t = a.reshape(32, 2, 32, 32)
    mp = (t[:, 0] + t[:, 1]).reshape(1024, 32)
    t = cnt1.reshape(2048, 2, 1)
    a = t[:, 0, :] + t[:, 1, :]
    t = a.reshape(32, 2, 32, 1)
    cp = (t[:, 0] + t[:, 1]).reshape(1024, 1)
    mp_ref[...] = mp.reshape(1, 1024, 32)
    cp_ref[...] = cp.reshape(1, 1024, 1)



def _pool32(x):
    C = x.shape[1]
    t = x.reshape(1024, 2, C)
    a = t[:, 0, :] + t[:, 1, :]
    t = a.reshape(32, 2, 16, C)
    b = t[:, 0] + t[:, 1]
    r = b[0:16] + b[16:32]
    return r.reshape(256, C)


def _unpool16(p):
    C = p.shape[1]
    t = p.reshape(16, 16, C)
    t = jnp.broadcast_to(t[:, :, None, :], (16, 16, 2, C)).reshape(16, 32, C)
    t = jnp.broadcast_to(t[:, None, :, :], (16, 2, 32, C)).reshape(32, 32, C)
    t = jnp.broadcast_to(t[None, :, :, :], (2, 32, 32, C))
    return t.reshape(2048, C)


def _k3b_body(mp_ref, cp_ref, w2_ref, b2_ref, w3_ref, b3_ref, w4_ref, b4_ref,
              wf1_ref, bf1_ref, wf2_ref, bf2_ref, proj23_ref):
    lat2 = jnp.concatenate(
        [mp_ref[0] + mp_ref[1], mp_ref[2] + mp_ref[3]], axis=0)
    cnt2 = jnp.concatenate(
        [cp_ref[0] + cp_ref[1], cp_ref[2] + cp_ref[3]], axis=0)
    a2 = lat2 / jnp.maximum(cnt2, 1.0)
    L2 = _leaky(_dot11(a2, w2_ref[...]) + b2_ref[...])
    a3 = L2 * jnp.where(cnt2 > 0.0, 1.0, 0.0)
    L3 = _leaky(_dot11(a3, w3_ref[...]) + b3_ref[...])

    lat4 = _pool32(cnt2 * L3)
    cnt4 = _pool32(cnt2)
    a4 = lat4 / jnp.maximum(cnt4, 1.0)
    L4 = _leaky(_dot11(a4, w4_ref[...]) + b4_ref[...])

    We = lax.dot_general(wf2_ref[...], wf1_ref[...], (((1,), (0,)), ((), ())),
                         preferred_element_type=jnp.float32)
    be = _dot11(bf1_ref[...], wf2_ref[...]) + bf2_ref[...]
    u = _unpool16(_dot11(L4, We[:, 224:352]))
    proj23_ref[...] = (_dot11(L2, We[:, 32:96]) + _dot11(L3, We[:, 96:224])
                       + u + be)



def _slice_body(p1_hbm, p23_hbm, i1_hbm, i2_hbm, out_hbm,
                i1_v, i2_v, r1_v, r2_v, sem, *, nrows):
    c = lax.axis_index("c")
    s = lax.axis_index("s")
    npts = nrows * 128
    base = (c * 16 + s) * npts
    pltpu.sync_copy(i1_hbm.at[c * 16 + s], i1_v)
    pltpu.sync_copy(i2_hbm.at[c * 16 + s], i2_v)

    def gbody(j, carry):
        pltpu.async_copy(p1_hbm.at[i1_v.at[j]],
                         r1_v.at[pl.ds(j * 128, 128)], sem).wait()
        pltpu.async_copy(p23_hbm.at[i2_v.at[j]],
                         r2_v.at[pl.ds(j * 128, 128)], sem).wait()
        return carry

    lax.fori_loop(0, nrows, gbody, 0)

    def abody(k, carry):
        r1_v[k] = r1_v[k] + r2_v[k]
        return carry

    lax.fori_loop(0, npts, abody, 0)
    pltpu.sync_copy(r1_v, out_hbm.at[pl.ds(base, npts)])



def kernel(data, W_init, b_init, W_bcl1, b_bcl1, W_bcl2, b_bcl2, W_bcl3, b_bcl3,
           W_bcl4, b_bcl4, W_f1, b_f1, W_f2, b_f2):
    P = data.shape[0]
    P_pad = ((P + 4095) // 4096) * 4096
    nrows = P_pad // (32 * 128)
    nr2 = P_pad // (16 * 128)

    dT = jnp.pad(data.T, ((0, 0), (0, P_pad - P)))
    dfl = jnp.pad(data.reshape(3, P), ((0, 0), (0, P_pad - P)))

    f0r, oner, i1, ilo, ihi, i2 = pl.pallas_call(
        functools.partial(_prep_body, n_valid=P),
        out_shape=(
            jax.ShapeDtypeStruct((1, P_pad), jnp.float32),
            jax.ShapeDtypeStruct((1, P_pad), jnp.float32),
            jax.ShapeDtypeStruct((1, P_pad), jnp.int32),
            jax.ShapeDtypeStruct((1, P_pad), jnp.int32),
            jax.ShapeDtypeStruct((1, P_pad), jnp.int32),
            jax.ShapeDtypeStruct((1, P_pad), jnp.int32),
        ),
    )(dT, dfl, W_init, b_init.reshape(1, 1))

    vals = jnp.concatenate(
        [f0r, oner, jnp.zeros((6, P_pad), jnp.float32)], axis=0).T
    isc = jnp.concatenate([ilo.reshape(16, nr2, 128),
                           ihi.reshape(16, nr2, 128)], axis=0)
    i1_3d = i1.reshape(32, nrows, 128)
    i2_3d = i2.reshape(32, nrows, 128)
    zrows = jnp.zeros((4096, 8), jnp.float32)

    mesh = plsc.VectorSubcoreMesh(core_axis_name="c", subcore_axis_name="s")
    scparams = pltpu.CompilerParams(use_tc_tiling_on_sc=False)

    splat = functools.partial(
        pl.kernel,
        out_type=jax.ShapeDtypeStruct((2, HALF, 8), jnp.float32),
        mesh=mesh,
        compiler_params=scparams,
        scratch_types=[
            pltpu.VMEM((nr2, 128), jnp.int32),
            pltpu.VMEM((nr2 * 128, 8), jnp.float32),
            pltpu.VMEM_SHARED((HALF + 8, 8), jnp.float32),
        ],
    )(functools.partial(_splat_body, nr=nr2))
    parts = splat(vals, isc, zrows).reshape(R1, 8)

    wf2p = jnp.pad(W_f2, ((0, CPAD - W_f2.shape[0]), (0, 0)))
    bf2p = jnp.pad(b_f2, (0, CPAD - b_f2.shape[0])).reshape(1, CPAD)

    proj1, mp, cp = pl.pallas_call(
        _k3a_body,
        grid=(64,),
        in_specs=[
            pl.BlockSpec((4096, 8), lambda x: (x, 0)),
            pl.BlockSpec((1, 32), lambda x: (0, 0)),
            pl.BlockSpec((1, 32), lambda x: (0, 0)),
            pl.BlockSpec((32, 352), lambda x: (0, 0)),
            pl.BlockSpec((CPAD, 32), lambda x: (0, 0)),
        ],
        out_specs=(
            pl.BlockSpec((4096, CPAD), lambda x: (x, 0)),
            pl.BlockSpec((1, 1024, 32), lambda x: (x, 0, 0)),
            pl.BlockSpec((1, 1024, 1), lambda x: (x, 0, 0)),
        ),
        out_shape=(
            jax.ShapeDtypeStruct((R1, CPAD), jnp.float32),
            jax.ShapeDtypeStruct((64, 1024, 32), jnp.float32),
            jax.ShapeDtypeStruct((64, 1024, 1), jnp.float32),
        ),
    )(parts, W_bcl1.reshape(1, 32), b_bcl1.reshape(1, 32), W_f1, wf2p)

    (proj23,) = pl.pallas_call(
        _k3b_body,
        grid=(16,),
        in_specs=[
            pl.BlockSpec((4, 1024, 32), lambda i: (i, 0, 0)),
            pl.BlockSpec((4, 1024, 1), lambda i: (i, 0, 0)),
            pl.BlockSpec((64, 32), lambda i: (0, 0)),
            pl.BlockSpec((1, 64), lambda i: (0, 0)),
            pl.BlockSpec((128, 64), lambda i: (0, 0)),
            pl.BlockSpec((1, 128), lambda i: (0, 0)),
            pl.BlockSpec((128, 128), lambda i: (0, 0)),
            pl.BlockSpec((1, 128), lambda i: (0, 0)),
            pl.BlockSpec((32, 352), lambda i: (0, 0)),
            pl.BlockSpec((1, 32), lambda i: (0, 0)),
            pl.BlockSpec((CPAD, 32), lambda i: (0, 0)),
            pl.BlockSpec((1, CPAD), lambda i: (0, 0)),
        ],
        out_specs=(pl.BlockSpec((R2 // 16, CPAD), lambda i: (i, 0)),),
        out_shape=(jax.ShapeDtypeStruct((R2, CPAD), jnp.float32),),
    )(
        mp, cp,
        W_bcl2, b_bcl2.reshape(1, 64),
        W_bcl3, b_bcl3.reshape(1, 128),
        W_bcl4, b_bcl4.reshape(1, 128),
        W_f1, b_f1.reshape(1, 32), wf2p, bf2p,
    )

    slicer = functools.partial(
        pl.kernel,
        out_type=jax.ShapeDtypeStruct((P_pad, CPAD), jnp.float32),
        mesh=mesh,
        compiler_params=scparams,
        scratch_types=[
            pltpu.VMEM((nrows, 128), jnp.int32),
            pltpu.VMEM((nrows, 128), jnp.int32),
            pltpu.VMEM((nrows * 128, CPAD), jnp.float32),
            pltpu.VMEM((nrows * 128, CPAD), jnp.float32),
            pltpu.SemaphoreType.DMA,
        ],
    )(functools.partial(_slice_body, nrows=nrows))
    pts = slicer(proj1, proj23, i1_3d, i2_3d)

    return pts[:P, :13].T.reshape(1, 13, P, 1, 1)

# --- scband reference (transcript-rebuilt; emitter-appended) ---
"""Pipeline reference for scband-splat-net-9749575762883 (READ-ONLY COPY).

The authoritative reference and input builder live on the scoring server;
editing this copy changes nothing except your own understanding.
"""

import jax, jax.numpy as jnp
import numpy as np

NUM_CLASSES = 13
NUM_POINTS = 100000

def _glorot(key, shape, fan_in):
    return jax.random.normal(key, shape, dtype=jnp.float32) * (1.0 / np.sqrt(fan_in))

def setup_inputs(seed: int = 0):
    key = jax.random.key(seed)
    ks = jax.random.split(key, 8)
    inp = {}
    inp['data'] = jax.random.uniform(ks[0], (NUM_POINTS, 3), dtype=jnp.float32)
    inp['W_init'] = _glorot(ks[1], (1, 3), 3)
    inp['b_init'] = jnp.zeros((1,), jnp.float32)
    inp['W_bcl1'] = _glorot(ks[2], (32, 1), 1)
    inp['b_bcl1'] = jnp.zeros((32,), jnp.float32)
    inp['W_bcl2'] = _glorot(ks[3], (64, 32), 32)
    inp['b_bcl2'] = jnp.zeros((64,), jnp.float32)
    inp['W_bcl3'] = _glorot(ks[4], (128, 64), 64)
    inp['b_bcl3'] = jnp.zeros((128,), jnp.float32)
    inp['W_bcl4'] = _glorot(ks[5], (128, 128), 128)
    inp['b_bcl4'] = jnp.zeros((128,), jnp.float32)
    inp['W_f1'] = _glorot(ks[6], (32, 352), 352)
    inp['b_f1'] = jnp.zeros((32,), jnp.float32)
    inp['W_f2'] = _glorot(ks[7], (NUM_CLASSES, 32), 32)
    inp['b_f2'] = jnp.zeros((NUM_CLASSES,), jnp.float32)
    return inp

def _conv111(x, W, b):
    # 1x1x1 Conv3d == channel-mixing linear layer
    return jnp.einsum('oc,bcpxy->bopxy', W, x) + b.reshape(1, -1, 1, 1, 1)

def _bcl(data, feat, N, W, b):
    # Bilateral Convolution Layer: splat (scatter-add) -> 1x1 lattice conv -> slice (gather)
    P = data.shape[0]
    Cp = feat.shape[1]
    f = feat.reshape(Cp, P).T  # [P, Cp]
    coords = jnp.clip(jnp.floor(data * N), 0, N - 1).astype(jnp.int32)  # [P, 3]
    idx = (coords[:, 0] * N + coords[:, 1]) * N + coords[:, 2]  # [P]
    lat = jnp.zeros((N * N * N, Cp), f.dtype).at[idx].add(f)
    cnt = jnp.zeros((N * N * N, 1), f.dtype).at[idx].add(1.0)
    lat = lat / jnp.maximum(cnt, 1.0)
    lat = lat @ W.T + b  # [N^3, C]
    lat = jnp.where(lat > 0.0, lat, 0.1 * lat)  # LeakyReLU(0.1)
    out = jnp.take(lat, idx, axis=0)  # slice: [P, C]
    return out.T.reshape(1, -1, P, 1, 1)

def reference(data, W_init, b_init, W_bcl1, b_bcl1, W_bcl2, b_bcl2, W_bcl3, b_bcl3, W_bcl4, b_bcl4, W_f1, b_f1, W_f2, b_f2):
    num_points = data.shape[0]
    # faithful to torch: plain reshape (memory reinterpretation), not transpose
    prev = data.reshape(1, 3, num_points, 1, 1)
    x0 = _conv111(prev, W_init, b_init)
    out1 = _bcl(data, x0, 64, W_bcl1, b_bcl1)
    out2 = _bcl(data, out1, 32, W_bcl2, b_bcl2)
    out3 = _bcl(data, out2, 32, W_bcl3, b_bcl3)
    out4 = _bcl(data, out3, 16, W_bcl4, b_bcl4)
    out = jnp.concatenate((out1, out2, out3, out4), axis=1)  # [1, 352, P, 1, 1]
    out = _conv111(out, W_f1, b_f1)
    out = _conv111(out, W_f2, b_f2)
    return out

if __name__ == "__main__":
    import jax
    _d = setup_inputs()
    print(jax.jit(kernel)(*tuple(_d.values())))

</pallas_src>

<mosaic_0001>
#map = affine_map<(d0, d1) -> (0, 0)>
#map1 = affine_map<(d0, d1) -> (0, 0, 0)>
module attributes {stable_mosaic.version = 14 : i64} {
  func.func @_slice_body(%arg0: i32, %arg1: i32, %arg2: memref<262144x16xf32, #tpu.memory_space<hbm>>, %arg3: memref<32768x16xf32, #tpu.memory_space<hbm>>, %arg4: memref<32x25x128xi32, #tpu.memory_space<hbm>>, %arg5: memref<32x25x128xi32, #tpu.memory_space<hbm>>, %arg6: memref<102400x16xf32, #tpu.memory_space<hbm>>, %arg7: memref<25x128xi32, #tpu.memory_space<vmem>>, %arg8: memref<25x128xi32, #tpu.memory_space<vmem>>, %arg9: memref<3200x16xf32, #tpu.memory_space<vmem>>, %arg10: memref<3200x16xf32, #tpu.memory_space<vmem>>, %arg11: memref<!tpu.dma_semaphore, #tpu.memory_space<semaphore_mem>>) attributes {dimension_semantics = [#tpu.dimension_semantics<core_parallel>, #tpu.dimension_semantics<subcore_parallel>], iteration_bounds = array<i64: 2, 16>, scalar_prefetch = 0 : i64, scratch_operands = 5 : i64, tpu.core_type = #tpu.core_type<sc_vector_subcore>, window_params = [{transform_indices = #map}, {transform_indices = #map}, {transform_indices = #map1}, {transform_indices = #map1}, {transform_indices = #map}]} {
    %mul3A = arith.constant 16 : i32
    %mul3A_0 = arith.muli %arg0, %mul3A : i32
    %add3A = arith.addi %mul3A_0, %arg1 : i32
    %mul3A_1 = arith.constant 3200 : i32
    %mul3A_2 = arith.muli %add3A, %mul3A_1 : i32
    %mul3A_3 = arith.constant 16 : i32
    %mul3A_4 = arith.muli %arg0, %mul3A_3 : i32
    %add3A_5 = arith.addi %mul3A_4, %arg1 : i32
    "tpu.region"() ({
      %run_scoped3A = tpu.sem_alloc : memref<!tpu.dma_semaphore, #tpu.memory_space<semaphore_mem>>
      %dma_start3A = arith.constant 0 : i32
      %dma_start3A_20 = arith.constant 0 : i32
      %dma_start3A_21 = tpu.memref_slice %arg4[%add3A_5, %dma_start3A, %dma_start3A_20] : memref<32x25x128xi32, #tpu.memory_space<hbm>> -> memref<1x25x128xi32, #tpu.memory_space<hbm>>
      %dma_start3A_22 = tpu.memref_squeeze %dma_start3A_21 : memref<1x25x128xi32, #tpu.memory_space<hbm>> -> memref<25x128xi32, #tpu.memory_space<hbm>>
      %dma_start3A_23 = arith.constant 0 : i32
      %dma_start3A_24 = arith.constant 0 : i32
      %dma_start3A_25 = tpu.memref_slice %arg4[%add3A_5, %dma_start3A_23, %dma_start3A_24] : memref<32x25x128xi32, #tpu.memory_space<hbm>> -> memref<1x25x128xi32, #tpu.memory_space<hbm>>
      %dma_start3A_26 = tpu.memref_squeeze %dma_start3A_25 : memref<1x25x128xi32, #tpu.memory_space<hbm>> -> memref<25x128xi32, #tpu.memory_space<hbm>>
      tpu.enqueue_dma source(%dma_start3A_26 : memref<25x128xi32, #tpu.memory_space<hbm>>) target(%arg7 : memref<25x128xi32, #tpu.memory_space<vmem>>) target_semaphore(%run_scoped3A : memref<!tpu.dma_semaphore, #tpu.memory_space<semaphore_mem>>)
      %dma_wait3A = arith.constant 0 : i32
      %dma_wait3A_27 = arith.constant 0 : i32
      %dma_wait3A_28 = tpu.memref_slice %arg4[%add3A_5, %dma_wait3A, %dma_wait3A_27] : memref<32x25x128xi32, #tpu.memory_space<hbm>> -> memref<1x25x128xi32, #tpu.memory_space<hbm>>
      %dma_wait3A_29 = tpu.memref_squeeze %dma_wait3A_28 : memref<1x25x128xi32, #tpu.memory_space<hbm>> -> memref<25x128xi32, #tpu.memory_space<hbm>>
      %dma_wait3A_30 = arith.constant 0 : i32
      %dma_wait3A_31 = arith.constant 0 : i32
      %dma_wait3A_32 = tpu.memref_slice %arg4[%add3A_5, %dma_wait3A_30, %dma_wait3A_31] : memref<32x25x128xi32, #tpu.memory_space<hbm>> -> memref<1x25x128xi32, #tpu.memory_space<hbm>>
      %dma_wait3A_33 = tpu.memref_squeeze %dma_wait3A_32 : memref<1x25x128xi32, #tpu.memory_space<hbm>> -> memref<25x128xi32, #tpu.memory_space<hbm>>
      tpu.wait_dma2 semaphore(%run_scoped3A : memref<!tpu.dma_semaphore, #tpu.memory_space<semaphore_mem>>) src(%dma_wait3A_33 : memref<25x128xi32, #tpu.memory_space<hbm>>) dst(%arg7 : memref<25x128xi32, #tpu.memory_space<vmem>>)
      tpu.yield
    }) : () -> ()
    %mul3A_6 = arith.constant 16 : i32
    %mul3A_7 = arith.muli %arg0, %mul3A_6 : i32
    %add3A_8 = arith.addi %mul3A_7, %arg1 : i32
    "tpu.region"() ({
      %run_scoped3A = tpu.sem_alloc : memref<!tpu.dma_semaphore, #tpu.memory_space<semaphore_mem>>
      %dma_start3A = arith.constant 0 : i32
      %dma_start3A_20 = arith.constant 0 : i32
      %dma_start3A_21 = tpu.memref_slice %arg5[%add3A_8, %dma_start3A, %dma_start3A_20] : memref<32x25x128xi32, #tpu.memory_space<hbm>> -> memref<1x25x128xi32, #tpu.memory_space<hbm>>
      %dma_start3A_22 = tpu.memref_squeeze %dma_start3A_21 : memref<1x25x128xi32, #tpu.memory_space<hbm>> -> memref<25x128xi32, #tpu.memory_space<hbm>>
      %dma_start3A_23 = arith.constant 0 : i32
      %dma_start3A_24 = arith.constant 0 : i32
      %dma_start3A_25 = tpu.memref_slice %arg5[%add3A_8, %dma_start3A_23, %dma_start3A_24] : memref<32x25x128xi32, #tpu.memory_space<hbm>> -> memref<1x25x128xi32, #tpu.memory_space<hbm>>
      %dma_start3A_26 = tpu.memref_squeeze %dma_start3A_25 : memref<1x25x128xi32, #tpu.memory_space<hbm>> -> memref<25x128xi32, #tpu.memory_space<hbm>>
      tpu.enqueue_dma source(%dma_start3A_26 : memref<25x128xi32, #tpu.memory_space<hbm>>) target(%arg8 : memref<25x128xi32, #tpu.memory_space<vmem>>) target_semaphore(%run_scoped3A : memref<!tpu.dma_semaphore, #tpu.memory_space<semaphore_mem>>)
      %dma_wait3A = arith.constant 0 : i32
      %dma_wait3A_27 = arith.constant 0 : i32
      %dma_wait3A_28 = tpu.memref_slice %arg5[%add3A_8, %dma_wait3A, %dma_wait3A_27] : memref<32x25x128xi32, #tpu.memory_space<hbm>> -> memref<1x25x128xi32, #tpu.memory_space<hbm>>
      %dma_wait3A_29 = tpu.memref_squeeze %dma_wait3A_28 : memref<1x25x128xi32, #tpu.memory_space<hbm>> -> memref<25x128xi32, #tpu.memory_space<hbm>>
      %dma_wait3A_30 = arith.constant 0 : i32
      %dma_wait3A_31 = arith.constant 0 : i32
      %dma_wait3A_32 = tpu.memref_slice %arg5[%add3A_8, %dma_wait3A_30, %dma_wait3A_31] : memref<32x25x128xi32, #tpu.memory_space<hbm>> -> memref<1x25x128xi32, #tpu.memory_space<hbm>>
      %dma_wait3A_33 = tpu.memref_squeeze %dma_wait3A_32 : memref<1x25x128xi32, #tpu.memory_space<hbm>> -> memref<25x128xi32, #tpu.memory_space<hbm>>
      tpu.wait_dma2 semaphore(%run_scoped3A : memref<!tpu.dma_semaphore, #tpu.memory_space<semaphore_mem>>) src(%dma_wait3A_33 : memref<25x128xi32, #tpu.memory_space<hbm>>) dst(%arg8 : memref<25x128xi32, #tpu.memory_space<vmem>>)
      tpu.yield
    }) : () -> ()
    %scan3A = arith.constant 0 : i32
    %scan3A_9 = arith.constant 0 : i32
    %scan3A_10 = arith.constant 25 : i32
    %scan3A_11 = arith.addi %scan3A_9, %scan3A_10 : i32
    %scan3A_12 = arith.constant 1 : i32
    scf.for %scan3A_20 = %scan3A_9 to %scan3A_11 step %scan3A_12  : i32 {
      %mul3A_21 = arith.constant 128 : i32
      %mul3A_22 = arith.muli %scan3A_20, %mul3A_21 : i32
      %dma_start3A = arith.constant 0 : i32
      %dma_start3A_23 = tpu.memref_slice %arg9[%mul3A_22, %dma_start3A] : memref<3200x16xf32, #tpu.memory_space<vmem>> -> memref<128x16xf32, #tpu.memory_space<vmem>>
      %dma_start3A_24 = arith.constant 0 : i32
      %dma_start3A_25 = tpu.memref_slice %arg7[%scan3A_20, %dma_start3A_24] : memref<25x128xi32, #tpu.memory_space<vmem>> -> memref<1x128xi32, #tpu.memory_space<vmem>>
      %dma_start3A_26 = tpu.memref_squeeze %dma_start3A_25 : memref<1x128xi32, #tpu.memory_space<vmem>> -> memref<128xi32, #tpu.memory_space<vmem>>
      %dma_start3A_27 = arith.constant 0 : i32
      %dma_start3A_28 = arith.constant 0 : i32
      %dma_start3A_29 = tpu.memref_slice %arg2[%dma_start3A_27, %dma_start3A_28] : memref<262144x16xf32, #tpu.memory_space<hbm>> -> memref<262144x16xf32, #tpu.memory_space<hbm>>
      tpu.enqueue_indirect_dma source(%dma_start3A_29 : memref<262144x16xf32, #tpu.memory_space<hbm>>) target(%dma_start3A_23 : memref<128x16xf32, #tpu.memory_space<vmem>>) offsets(%dma_start3A_26 : memref<128xi32, #tpu.memory_space<vmem>>) semaphore(%arg11 : memref<!tpu.dma_semaphore, #tpu.memory_space<semaphore_mem>>)
      %dma_wait3A = arith.constant 0 : i32
      %dma_wait3A_30 = tpu.memref_slice %arg9[%mul3A_22, %dma_wait3A] : memref<3200x16xf32, #tpu.memory_space<vmem>> -> memref<128x16xf32, #tpu.memory_space<vmem>>
      %dma_wait3A_31 = arith.constant 0 : i32
      %dma_wait3A_32 = tpu.memref_slice %arg7[%scan3A_20, %dma_wait3A_31] : memref<25x128xi32, #tpu.memory_space<vmem>> -> memref<1x128xi32, #tpu.memory_space<vmem>>
      %dma_wait3A_33 = tpu.memref_squeeze %dma_wait3A_32 : memref<1x128xi32, #tpu.memory_space<vmem>> -> memref<128xi32, #tpu.memory_space<vmem>>
      %dma_wait3A_34 = arith.constant 0 : i32
      %dma_wait3A_35 = arith.constant 0 : i32
      %dma_wait3A_36 = tpu.memref_slice %arg2[%dma_wait3A_34, %dma_wait3A_35] : memref<262144x16xf32, #tpu.memory_space<hbm>> -> memref<262144x16xf32, #tpu.memory_space<hbm>>
      tpu.wait_indirect_dma semaphore(%arg11 : memref<!tpu.dma_semaphore, #tpu.memory_space<semaphore_mem>>) src(%dma_wait3A_36 : memref<262144x16xf32, #tpu.memory_space<hbm>>) dst(%dma_wait3A_30 : memref<128x16xf32, #tpu.memory_space<vmem>>)
      %mul3A_37 = arith.constant 128 : i32
      %mul3A_38 = arith.muli %scan3A_20, %mul3A_37 : i32
      %dma_start3A_39 = arith.constant 0 : i32
      %dma_start3A_40 = tpu.memref_slice %arg10[%mul3A_38, %dma_start3A_39] : memref<3200x16xf32, #tpu.memory_space<vmem>> -> memref<128x16xf32, #tpu.memory_space<vmem>>
      %dma_start3A_41 = arith.constant 0 : i32
      %dma_start3A_42 = tpu.memref_slice %arg8[%scan3A_20, %dma_start3A_41] : memref<25x128xi32, #tpu.memory_space<vmem>> -> memref<1x128xi32, #tpu.memory_space<vmem>>
      %dma_start3A_43 = tpu.memref_squeeze %dma_start3A_42 : memref<1x128xi32, #tpu.memory_space<vmem>> -> memref<128xi32, #tpu.memory_space<vmem>>
      %dma_start3A_44 = arith.constant 0 : i32
      %dma_start3A_45 = arith.constant 0 : i32
      %dma_start3A_46 = tpu.memref_slice %arg3[%dma_start3A_44, %dma_start3A_45] : memref<32768x16xf32, #tpu.memory_space<hbm>> -> memref<32768x16xf32, #tpu.memory_space<hbm>>
      tpu.enqueue_indirect_dma source(%dma_start3A_46 : memref<32768x16xf32, #tpu.memory_space<hbm>>) target(%dma_start3A_40 : memref<128x16xf32, #tpu.memory_space<vmem>>) offsets(%dma_start3A_43 : memref<128xi32, #tpu.memory_space<vmem>>) semaphore(%arg11 : memref<!tpu.dma_semaphore, #tpu.memory_space<semaphore_mem>>)
      %dma_wait3A_47 = arith.constant 0 : i32
      %dma_wait3A_48 = tpu.memref_slice %arg10[%mul3A_38, %dma_wait3A_47] : memref<3200x16xf32, #tpu.memory_space<vmem>> -> memref<128x16xf32, #tpu.memory_space<vmem>>
      %dma_wait3A_49 = arith.constant 0 : i32
      %dma_wait3A_50 = tpu.memref_slice %arg8[%scan3A_20, %dma_wait3A_49] : memref<25x128xi32, #tpu.memory_space<vmem>> -> memref<1x128xi32, #tpu.memory_space<vmem>>
      %dma_wait3A_51 = tpu.memref_squeeze %dma_wait3A_50 : memref<1x128xi32, #tpu.memory_space<vmem>> -> memref<128xi32, #tpu.memory_space<vmem>>
      %dma_wait3A_52 = arith.constant 0 : i32
      %dma_wait3A_53 = arith.constant 0 : i32
      %dma_wait3A_54 = tpu.memref_slice %arg3[%dma_wait3A_52, %dma_wait3A_53] : memref<32768x16xf32, #tpu.memory_space<hbm>> -> memref<32768x16xf32, #tpu.memory_space<hbm>>
      tpu.wait_indirect_dma semaphore(%arg11 : memref<!tpu.dma_semaphore, #tpu.memory_space<semaphore_mem>>) src(%dma_wait3A_54 : memref<32768x16xf32, #tpu.memory_space<hbm>>) dst(%dma_wait3A_48 : memref<128x16xf32, #tpu.memory_space<vmem>>)
    }
    %scan3A_13 = arith.constant 25 : i32
    %scan3A_14 = arith.constant 0 : i32
    %scan3A_15 = arith.constant 0 : i32
    %scan3A_16 = arith.constant 3200 : i32
    %scan3A_17 = arith.addi %scan3A_15, %scan3A_16 : i32
    %scan3A_18 = arith.constant 1 : i32
    scf.for %scan3A_20 = %scan3A_15 to %scan3A_17 step %scan3A_18  : i32 {
      %get3A = arith.index_cast %scan3A_20 : i32 to index
      %get3A_21 = arith.constant 0 : index
      %get3A_22 = tpu.vector_load %arg9[%get3A, %get3A_21] {strides = array<i32>} : memref<3200x16xf32, #tpu.memory_space<vmem>>, vector<1x16xf32>,
      %get3A_23 = vector.shape_cast %get3A_22 : vector<1x16xf32> to vector<16xf32>
      %get3A_24 = arith.index_cast %scan3A_20 : i32 to index
      %get3A_25 = arith.constant 0 : index
      %get3A_26 = tpu.vector_load %arg10[%get3A_24, %get3A_25] {strides = array<i32>} : memref<3200x16xf32, #tpu.memory_space<vmem>>, vector<1x16xf32>,
      %get3A_27 = vector.shape_cast %get3A_26 : vector<1x16xf32> to vector<16xf32>
      %add3A_28 = arith.addf %get3A_23, %get3A_27 : vector<16xf32>
      %swap3A = arith.index_cast %scan3A_20 : i32 to index
      %swap3A_29 = arith.constant 0 : index
      %swap3A_30 = tpu.vector_load %arg9[%swap3A, %swap3A_29] {strides = array<i32>} : memref<3200x16xf32, #tpu.memory_space<vmem>>, vector<1x16xf32>,
      %swap3A_31 = vector.shape_cast %swap3A_30 : vector<1x16xf32> to vector<16xf32>
      %swap3A_32 = vector.shape_cast %add3A_28 : vector<16xf32> to vector<1x16xf32>
      tpu.vector_store %arg9[%swap3A, %swap3A_29], %swap3A_32 {strides = array<i32>} : memref<3200x16xf32, #tpu.memory_space<vmem>>, vector<1x16xf32>,
    }
    %scan3A_19 = arith.constant 3200 : i32
    "tpu.region"() ({
      %run_scoped3A = tpu.sem_alloc : memref<!tpu.dma_semaphore, #tpu.memory_space<semaphore_mem>>
      %dma_start3A = arith.constant 0 : i32
      %dma_start3A_20 = tpu.memref_slice %arg6[%mul3A_2, %dma_start3A] : memref<102400x16xf32, #tpu.memory_space<hbm>> -> memref<3200x16xf32, #tpu.memory_space<hbm>>
      %dma_start3A_21 = arith.constant 0 : i32
      %dma_start3A_22 = tpu.memref_slice %arg6[%mul3A_2, %dma_start3A_21] : memref<102400x16xf32, #tpu.memory_space<hbm>> -> memref<3200x16xf32, #tpu.memory_space<hbm>>
      tpu.enqueue_dma source(%arg9 : memref<3200x16xf32, #tpu.memory_space<vmem>>) target(%dma_start3A_22 : memref<3200x16xf32, #tpu.memory_space<hbm>>) target_semaphore(%run_scoped3A : memref<!tpu.dma_semaphore, #tpu.memory_space<semaphore_mem>>)
      %dma_wait3A = arith.constant 0 : i32
      %dma_wait3A_23 = tpu.memref_slice %arg6[%mul3A_2, %dma_wait3A] : memref<102400x16xf32, #tpu.memory_space<hbm>> -> memref<3200x16xf32, #tpu.memory_space<hbm>>
      %dma_wait3A_24 = arith.constant 0 : i32
      %dma_wait3A_25 = tpu.memref_slice %arg6[%mul3A_2, %dma_wait3A_24] : memref<102400x16xf32, #tpu.memory_space<hbm>> -> memref<3200x16xf32, #tpu.memory_space<hbm>>
      tpu.wait_dma2 semaphore(%run_scoped3A : memref<!tpu.dma_semaphore, #tpu.memory_space<semaphore_mem>>) src(%arg9 : memref<3200x16xf32, #tpu.memory_space<vmem>>) dst(%dma_wait3A_25 : memref<3200x16xf32, #tpu.memory_space<hbm>>)
      tpu.yield
    }) : () -> ()
    return
  }
}

#map = affine_map<(d0, d1) -> (0, 0)>
#map1 = affine_map<(d0, d1) -> (0, 0, 0)>
module attributes {stable_mosaic.version = 14 : i64} {
  func.func @_splat_body(%arg0: i32, %arg1: i32, %arg2: memref<102400x8xf32, #tpu.memory_space<hbm>>, %arg3: memref<32x50x128xi32, #tpu.memory_space<hbm>>, %arg4: memref<4096x8xf32, #tpu.memory_space<hbm>>, %arg5: memref<2x131072x8xf32, #tpu.memory_space<hbm>>, %arg6: memref<50x128xi32, #tpu.memory_space<vmem>>, %arg7: memref<6400x8xf32, #tpu.memory_space<vmem>>, %arg8: memref<131080x8xf32, #tpu.memory_space<vmem_shared>>) attributes {dimension_semantics = [#tpu.dimension_semantics<core_parallel>, #tpu.dimension_semantics<subcore_parallel>], iteration_bounds = array<i64: 2, 16>, scalar_prefetch = 0 : i64, scratch_operands = 3 : i64, tpu.core_type = #tpu.core_type<sc_vector_subcore>, window_params = [{transform_indices = #map}, {transform_indices = #map1}, {transform_indices = #map}, {transform_indices = #map1}]} {
    %mul3A = arith.constant 8192 : i32
    %mul3A_0 = arith.muli %arg1, %mul3A : i32
    %add3A = arith.constant 0 : i32
    %add3A_1 = arith.addi %mul3A_0, %add3A : i32
    "tpu.region"() ({
      %run_scoped3A = tpu.sem_alloc : memref<!tpu.dma_semaphore, #tpu.memory_space<semaphore_mem>>
      %dma_start3A = arith.constant 0 : i32
      %dma_start3A_33 = tpu.memref_slice %arg8[%add3A_1, %dma_start3A] : memref<131080x8xf32, #tpu.memory_space<vmem_shared>> -> memref<4096x8xf32, #tpu.memory_space<vmem_shared>>
      tpu.enqueue_dma source(%arg4 : memref<4096x8xf32, #tpu.memory_space<hbm>>) target(%dma_start3A_33 : memref<4096x8xf32, #tpu.memory_space<vmem_shared>>) target_semaphore(%run_scoped3A : memref<!tpu.dma_semaphore, #tpu.memory_space<semaphore_mem>>)
      %dma_wait3A = arith.constant 0 : i32
      %dma_wait3A_34 = tpu.memref_slice %arg8[%add3A_1, %dma_wait3A] : memref<131080x8xf32, #tpu.memory_space<vmem_shared>> -> memref<4096x8xf32, #tpu.memory_space<vmem_shared>>
      tpu.wait_dma2 semaphore(%run_scoped3A : memref<!tpu.dma_semaphore, #tpu.memory_space<semaphore_mem>>) src(%arg4 : memref<4096x8xf32, #tpu.memory_space<hbm>>) dst(%dma_wait3A_34 : memref<4096x8xf32, #tpu.memory_space<vmem_shared>>)
      tpu.yield
    }) : () -> ()
    %mul3A_2 = arith.constant 8192 : i32
    %mul3A_3 = arith.muli %arg1, %mul3A_2 : i32
    %add3A_4 = arith.constant 4096 : i32
    %add3A_5 = arith.addi %mul3A_3, %add3A_4 : i32
    "tpu.region"() ({
      %run_scoped3A = tpu.sem_alloc : memref<!tpu.dma_semaphore, #tpu.memory_space<semaphore_mem>>
      %dma_start3A = arith.constant 0 : i32
      %dma_start3A_33 = tpu.memref_slice %arg8[%add3A_5, %dma_start3A] : memref<131080x8xf32, #tpu.memory_space<vmem_shared>> -> memref<4096x8xf32, #tpu.memory_space<vmem_shared>>
      tpu.enqueue_dma source(%arg4 : memref<4096x8xf32, #tpu.memory_space<hbm>>) target(%dma_start3A_33 : memref<4096x8xf32, #tpu.memory_space<vmem_shared>>) target_semaphore(%run_scoped3A : memref<!tpu.dma_semaphore, #tpu.memory_space<semaphore_mem>>)
      %dma_wait3A = arith.constant 0 : i32
      %dma_wait3A_34 = tpu.memref_slice %arg8[%add3A_5, %dma_wait3A] : memref<131080x8xf32, #tpu.memory_space<vmem_shared>> -> memref<4096x8xf32, #tpu.memory_space<vmem_shared>>
      tpu.wait_dma2 semaphore(%run_scoped3A : memref<!tpu.dma_semaphore, #tpu.memory_space<semaphore_mem>>) src(%arg4 : memref<4096x8xf32, #tpu.memory_space<hbm>>) dst(%dma_wait3A_34 : memref<4096x8xf32, #tpu.memory_space<vmem_shared>>)
      tpu.yield
    }) : () -> ()
    %mul3A_6 = arith.constant 16 : i32
    %mul3A_7 = arith.muli %arg0, %mul3A_6 : i32
    %add3A_8 = arith.addi %mul3A_7, %arg1 : i32
    "tpu.region"() ({
      %run_scoped3A = tpu.sem_alloc : memref<!tpu.dma_semaphore, #tpu.memory_space<semaphore_mem>>
      %dma_start3A = arith.constant 0 : i32
      %dma_start3A_33 = arith.constant 0 : i32
      %dma_start3A_34 = tpu.memref_slice %arg3[%add3A_8, %dma_start3A, %dma_start3A_33] : memref<32x50x128xi32, #tpu.memory_space<hbm>> -> memref<1x50x128xi32, #tpu.memory_space<hbm>>
      %dma_start3A_35 = tpu.memref_squeeze %dma_start3A_34 : memref<1x50x128xi32, #tpu.memory_space<hbm>> -> memref<50x128xi32, #tpu.memory_space<hbm>>
      %dma_start3A_36 = arith.constant 0 : i32
      %dma_start3A_37 = arith.constant 0 : i32
      %dma_start3A_38 = tpu.memref_slice %arg3[%add3A_8, %dma_start3A_36, %dma_start3A_37] : memref<32x50x128xi32, #tpu.memory_space<hbm>> -> memref<1x50x128xi32, #tpu.memory_space<hbm>>
      %dma_start3A_39 = tpu.memref_squeeze %dma_start3A_38 : memref<1x50x128xi32, #tpu.memory_space<hbm>> -> memref<50x128xi32, #tpu.memory_space<hbm>>
      tpu.enqueue_dma source(%dma_start3A_39 : memref<50x128xi32, #tpu.memory_space<hbm>>) target(%arg6 : memref<50x128xi32, #tpu.memory_space<vmem>>) target_semaphore(%run_scoped3A : memref<!tpu.dma_semaphore, #tpu.memory_space<semaphore_mem>>)
      %dma_wait3A = arith.constant 0 : i32
      %dma_wait3A_40 = arith.constant 0 : i32
      %dma_wait3A_41 = tpu.memref_slice %arg3[%add3A_8, %dma_wait3A, %dma_wait3A_40] : memref<32x50x128xi32, #tpu.memory_space<hbm>> -> memref<1x50x128xi32, #tpu.memory_space<hbm>>
      %dma_wait3A_42 = tpu.memref_squeeze %dma_wait3A_41 : memref<1x50x128xi32, #tpu.memory_space<hbm>> -> memref<50x128xi32, #tpu.memory_space<hbm>>
      %dma_wait3A_43 = arith.constant 0 : i32
      %dma_wait3A_44 = arith.constant 0 : i32
      %dma_wait3A_45 = tpu.memref_slice %arg3[%add3A_8, %dma_wait3A_43, %dma_wait3A_44] : memref<32x50x128xi32, #tpu.memory_space<hbm>> -> memref<1x50x128xi32, #tpu.memory_space<hbm>>
      %dma_wait3A_46 = tpu.memref_squeeze %dma_wait3A_45 : memref<1x50x128xi32, #tpu.memory_space<hbm>> -> memref<50x128xi32, #tpu.memory_space<hbm>>
      tpu.wait_dma2 semaphore(%run_scoped3A : memref<!tpu.dma_semaphore, #tpu.memory_space<semaphore_mem>>) src(%dma_wait3A_46 : memref<50x128xi32, #tpu.memory_space<hbm>>) dst(%arg6 : memref<50x128xi32, #tpu.memory_space<vmem>>)
      tpu.yield
    }) : () -> ()
    %mul3A_9 = arith.constant 6400 : i32
    %mul3A_10 = arith.muli %arg1, %mul3A_9 : i32
    "tpu.region"() ({
      %run_scoped3A = tpu.sem_alloc : memref<!tpu.dma_semaphore, #tpu.memory_space<semaphore_mem>>
      %dma_start3A = arith.constant 0 : i32
      %dma_start3A_33 = tpu.memref_slice %arg2[%mul3A_10, %dma_start3A] : memref<102400x8xf32, #tpu.memory_space<hbm>> -> memref<6400x8xf32, #tpu.memory_space<hbm>>
      %dma_start3A_34 = arith.constant 0 : i32
      %dma_start3A_35 = tpu.memref_slice %arg2[%mul3A_10, %dma_start3A_34] : memref<102400x8xf32, #tpu.memory_space<hbm>> -> memref<6400x8xf32, #tpu.memory_space<hbm>>
      tpu.enqueue_dma source(%dma_start3A_35 : memref<6400x8xf32, #tpu.memory_space<hbm>>) target(%arg7 : memref<6400x8xf32, #tpu.memory_space<vmem>>) target_semaphore(%run_scoped3A : memref<!tpu.dma_semaphore, #tpu.memory_space<semaphore_mem>>)
      %dma_wait3A = arith.constant 0 : i32
      %dma_wait3A_36 = tpu.memref_slice %arg2[%mul3A_10, %dma_wait3A] : memref<102400x8xf32, #tpu.memory_space<hbm>> -> memref<6400x8xf32, #tpu.memory_space<hbm>>
      %dma_wait3A_37 = arith.constant 0 : i32
      %dma_wait3A_38 = tpu.memref_slice %arg2[%mul3A_10, %dma_wait3A_37] : memref<102400x8xf32, #tpu.memory_space<hbm>> -> memref<6400x8xf32, #tpu.memory_space<hbm>>
      tpu.wait_dma2 semaphore(%run_scoped3A : memref<!tpu.dma_semaphore, #tpu.memory_space<semaphore_mem>>) src(%dma_wait3A_38 : memref<6400x8xf32, #tpu.memory_space<hbm>>) dst(%arg7 : memref<6400x8xf32, #tpu.memory_space<vmem>>)
      tpu.yield
    }) : () -> ()
    %barrier3A = arith.constant 0 : index
    tpu.barrier barrier_id(%barrier3A)
    %scan3A = arith.constant 0 : i32
    %scan3A_11 = arith.constant 0 : i32
    %scan3A_12 = arith.constant 50 : i32
    %scan3A_13 = arith.addi %scan3A_11, %scan3A_12 : i32
    %scan3A_14 = arith.constant 1 : i32
    scf.for %scan3A_33 = %scan3A_11 to %scan3A_13 step %scan3A_14  : i32 {
      %mul3A_34 = arith.constant 128 : i32
      %mul3A_35 = arith.muli %scan3A_33, %mul3A_34 : i32
      "tpu.region"() ({
        %run_scoped3A = tpu.sem_alloc : memref<!tpu.dma_semaphore, #tpu.memory_space<semaphore_mem>>
        %dma_start3A = arith.constant 0 : i32
        %dma_start3A_36 = tpu.memref_slice %arg7[%mul3A_35, %dma_start3A] : memref<6400x8xf32, #tpu.memory_space<vmem>> -> memref<128x8xf32, #tpu.memory_space<vmem>>
        %dma_start3A_37 = arith.constant 0 : i32
        %dma_start3A_38 = tpu.memref_slice %arg6[%scan3A_33, %dma_start3A_37] : memref<50x128xi32, #tpu.memory_space<vmem>> -> memref<1x128xi32, #tpu.memory_space<vmem>>
        %dma_start3A_39 = tpu.memref_squeeze %dma_start3A_38 : memref<1x128xi32, #tpu.memory_space<vmem>> -> memref<128xi32, #tpu.memory_space<vmem>>
        %dma_start3A_40 = arith.constant 0 : i32
        %dma_start3A_41 = arith.constant 0 : i32
        %dma_start3A_42 = tpu.memref_slice %arg8[%dma_start3A_40, %dma_start3A_41] : memref<131080x8xf32, #tpu.memory_space<vmem_shared>> -> memref<131080x8xf32, #tpu.memory_space<vmem_shared>>
        tpu.enqueue_indirect_dma source(%dma_start3A_36 : memref<128x8xf32, #tpu.memory_space<vmem>>) target(%dma_start3A_42 : memref<131080x8xf32, #tpu.memory_space<vmem_shared>>) offsets(%dma_start3A_39 : memref<128xi32, #tpu.memory_space<vmem>>) semaphore(%run_scoped3A : memref<!tpu.dma_semaphore, #tpu.memory_space<semaphore_mem>>) {add = true}
        %dma_wait3A = arith.constant 0 : i32
        %dma_wait3A_43 = tpu.memref_slice %arg7[%mul3A_35, %dma_wait3A] : memref<6400x8xf32, #tpu.memory_space<vmem>> -> memref<128x8xf32, #tpu.memory_space<vmem>>
        %dma_wait3A_44 = arith.constant 0 : i32
        %dma_wait3A_45 = tpu.memref_slice %arg6[%scan3A_33, %dma_wait3A_44] : memref<50x128xi32, #tpu.memory_space<vmem>> -> memref<1x128xi32, #tpu.memory_space<vmem>>
        %dma_wait3A_46 = tpu.memref_squeeze %dma_wait3A_45 : memref<1x128xi32, #tpu.memory_space<vmem>> -> memref<128xi32, #tpu.memory_space<vmem>>
        %dma_wait3A_47 = arith.constant 0 : i32
        %dma_wait3A_48 = arith.constant 0 : i32
        %dma_wait3A_49 = tpu.memref_slice %arg8[%dma_wait3A_47, %dma_wait3A_48] : memref<131080x8xf32, #tpu.memory_space<vmem_shared>> -> memref<131080x8xf32, #tpu.memory_space<vmem_shared>>
        tpu.wait_indirect_dma semaphore(%run_scoped3A : memref<!tpu.dma_semaphore, #tpu.memory_space<semaphore_mem>>) src(%dma_wait3A_43 : memref<128x8xf32, #tpu.memory_space<vmem>>) dst(%dma_wait3A_49 : memref<131080x8xf32, #tpu.memory_space<vmem_shared>>)
        tpu.yield
      }) : () -> ()
    }
    %scan3A_15 = arith.constant 50 : i32
    %barrier3A_16 = arith.constant 0 : index
    tpu.barrier barrier_id(%barrier3A_16)
    %mul3A_17 = arith.constant 8192 : i32
    %mul3A_18 = arith.muli %arg1, %mul3A_17 : i32
    %add3A_19 = arith.constant 0 : i32
    %add3A_20 = arith.addi %mul3A_18, %add3A_19 : i32
    %mul3A_21 = arith.constant 8192 : i32
    %mul3A_22 = arith.muli %arg1, %mul3A_21 : i32
    %add3A_23 = arith.constant 0 : i32
    %add3A_24 = arith.addi %mul3A_22, %add3A_23 : i32
    "tpu.region"() ({
      %run_scoped3A = tpu.sem_alloc : memref<!tpu.dma_semaphore, #tpu.memory_space<semaphore_mem>>
      %dma_start3A = arith.constant 0 : i32
      %dma_start3A_33 = arith.constant 0 : i32
      %dma_start3A_34 = tpu.memref_slice %arg5[%arg0, %dma_start3A, %dma_start3A_33] : memref<2x131072x8xf32, #tpu.memory_space<hbm>> -> memref<1x131072x8xf32, #tpu.memory_space<hbm>>
      %dma_start3A_35 = tpu.memref_squeeze %dma_start3A_34 : memref<1x131072x8xf32, #tpu.memory_space<hbm>> -> memref<131072x8xf32, #tpu.memory_space<hbm>>
      %dma_start3A_36 = arith.constant 0 : i32
      %dma_start3A_37 = tpu.memref_slice %dma_start3A_35[%add3A_24, %dma_start3A_36] : memref<131072x8xf32, #tpu.memory_space<hbm>> -> memref<4096x8xf32, #tpu.memory_space<hbm>>
      %dma_start3A_38 = arith.constant 0 : i32
      %dma_start3A_39 = tpu.memref_slice %arg8[%add3A_20, %dma_start3A_38] : memref<131080x8xf32, #tpu.memory_space<vmem_shared>> -> memref<4096x8xf32, #tpu.memory_space<vmem_shared>>
      tpu.enqueue_dma source(%dma_start3A_39 : memref<4096x8xf32, #tpu.memory_space<vmem_shared>>) target(%dma_start3A_37 : memref<4096x8xf32, #tpu.memory_space<hbm>>) target_semaphore(%run_scoped3A : memref<!tpu.dma_semaphore, #tpu.memory_space<semaphore_mem>>)
      %dma_wait3A = arith.constant 0 : i32
      %dma_wait3A_40 = arith.constant 0 : i32
      %dma_wait3A_41 = tpu.memref_slice %arg5[%arg0, %dma_wait3A, %dma_wait3A_40] : memref<2x131072x8xf32, #tpu.memory_space<hbm>> -> memref<1x131072x8xf32, #tpu.memory_space<hbm>>
      %dma_wait3A_42 = tpu.memref_squeeze %dma_wait3A_41 : memref<1x131072x8xf32, #tpu.memory_space<hbm>> -> memref<131072x8xf32, #tpu.memory_space<hbm>>
      %dma_wait3A_43 = arith.constant 0 : i32
      %dma_wait3A_44 = tpu.memref_slice %dma_wait3A_42[%add3A_24, %dma_wait3A_43] : memref<131072x8xf32, #tpu.memory_space<hbm>> -> memref<4096x8xf32, #tpu.memory_space<hbm>>
      %dma_wait3A_45 = arith.constant 0 : i32
      %dma_wait3A_46 = tpu.memref_slice %arg8[%add3A_20, %dma_wait3A_45] : memref<131080x8xf32, #tpu.memory_space<vmem_shared>> -> memref<4096x8xf32, #tpu.memory_space<vmem_shared>>
      tpu.wait_dma2 semaphore(%run_scoped3A : memref<!tpu.dma_semaphore, #tpu.memory_space<semaphore_mem>>) src(%dma_wait3A_46 : memref<4096x8xf32, #tpu.memory_space<vmem_shared>>) dst(%dma_wait3A_44 : memref<4096x8xf32, #tpu.memory_space<hbm>>)
      tpu.yield
    }) : () -> ()
    %mul3A_25 = arith.constant 8192 : i32
    %mul3A_26 = arith.muli %arg1, %mul3A_25 : i32
    %add3A_27 = arith.constant 4096 : i32
    %add3A_28 = arith.addi %mul3A_26, %add3A_27 : i32
    %mul3A_29 = arith.constant 8192 : i32
    %mul3A_30 = arith.muli %arg1, %mul3A_29 : i32
    %add3A_31 = arith.constant 4096 : i32
    %add3A_32 = arith.addi %mul3A_30, %add3A_31 : i32
    "tpu.region"() ({
      %run_scoped3A = tpu.sem_alloc : memref<!tpu.dma_semaphore, #tpu.memory_space<semaphore_mem>>
      %dma_start3A = arith.constant 0 : i32
      %dma_start3A_33 = arith.constant 0 : i32
      %dma_start3A_34 = tpu.memref_slice %arg5[%arg0, %dma_start3A, %dma_start3A_33] : memref<2x131072x8xf32, #tpu.memory_space<hbm>> -> memref<1x131072x8xf32, #tpu.memory_space<hbm>>
      %dma_start3A_35 = tpu.memref_squeeze %dma_start3A_34 : memref<1x131072x8xf32, #tpu.memory_space<hbm>> -> memref<131072x8xf32, #tpu.memory_space<hbm>>
      %dma_start3A_36 = arith.constant 0 : i32
      %dma_start3A_37 = tpu.memref_slice %dma_start3A_35[%add3A_32, %dma_start3A_36] : memref<131072x8xf32, #tpu.memory_space<hbm>> -> memref<4096x8xf32, #tpu.memory_space<hbm>>
      %dma_start3A_38 = arith.constant 0 : i32
      %dma_start3A_39 = tpu.memref_slice %arg8[%add3A_28, %dma_start3A_38] : memref<131080x8xf32, #tpu.memory_space<vmem_shared>> -> memref<4096x8xf32, #tpu.memory_space<vmem_shared>>
      tpu.enqueue_dma source(%dma_start3A_39 : memref<4096x8xf32, #tpu.memory_space<vmem_shared>>) target(%dma_start3A_37 : memref<4096x8xf32, #tpu.memory_space<hbm>>) target_semaphore(%run_scoped3A : memref<!tpu.dma_semaphore, #tpu.memory_space<semaphore_mem>>)
      %dma_wait3A = arith.constant 0 : i32
      %dma_wait3A_40 = arith.constant 0 : i32
      %dma_wait3A_41 = tpu.memref_slice %arg5[%arg0, %dma_wait3A, %dma_wait3A_40] : memref<2x131072x8xf32, #tpu.memory_space<hbm>> -> memref<1x131072x8xf32, #tpu.memory_space<hbm>>
      %dma_wait3A_42 = tpu.memref_squeeze %dma_wait3A_41 : memref<1x131072x8xf32, #tpu.memory_space<hbm>> -> memref<131072x8xf32, #tpu.memory_space<hbm>>
      %dma_wait3A_43 = arith.constant 0 : i32
      %dma_wait3A_44 = tpu.memref_slice %dma_wait3A_42[%add3A_32, %dma_wait3A_43] : memref<131072x8xf32, #tpu.memory_space<hbm>> -> memref<4096x8xf32, #tpu.memory_space<hbm>>
      %dma_wait3A_45 = arith.constant 0 : i32
      %dma_wait3A_46 = tpu.memref_slice %arg8[%add3A_28, %dma_wait3A_45] : memref<131080x8xf32, #tpu.memory_space<vmem_shared>> -> memref<4096x8xf32, #tpu.memory_space<vmem_shared>>
      tpu.wait_dma2 semaphore(%run_scoped3A : memref<!tpu.dma_semaphore, #tpu.memory_space<semaphore_mem>>) src(%dma_wait3A_46 : memref<4096x8xf32, #tpu.memory_space<vmem_shared>>) dst(%dma_wait3A_44 : memref<4096x8xf32, #tpu.memory_space<hbm>>)
      tpu.yield
    }) : () -> ()
    return
  }
}

module attributes {stable_mosaic.version = 14 : i64} {
  func.func @_prep_body(%arg0: memref<3x102400xf32, #tpu.memory_space<vmem>>, %arg1: memref<3x102400xf32, #tpu.memory_space<vmem>>, %arg2: memref<1x3xf32, #tpu.memory_space<vmem>>, %arg3: memref<1x1xf32, #tpu.memory_space<vmem>>, %arg4: memref<1x102400xf32, #tpu.memory_space<vmem>>, %arg5: memref<1x102400xf32, #tpu.memory_space<vmem>>, %arg6: memref<1x102400xi32, #tpu.memory_space<vmem>>, %arg7: memref<1x102400xi32, #tpu.memory_space<vmem>>, %arg8: memref<1x102400xi32, #tpu.memory_space<vmem>>, %arg9: memref<1x102400xi32, #tpu.memory_space<vmem>>) attributes {dimension_semantics = [], scalar_prefetch = 0 : i64, scratch_operands = 0 : i64, tpu.core_type = #tpu.core_type<tc>} {
    %get3A = arith.constant 0 : index
    %get3A_0 = arith.constant 0 : index
    %get3A_1 = vector.load %arg0[%get3A, %get3A_0] : memref<3x102400xf32, #tpu.memory_space<vmem>>, vector<1x102400xf32>
    %get3A_2 = arith.constant 1 : index
    %get3A_3 = arith.constant 0 : index
    %get3A_4 = vector.load %arg0[%get3A_2, %get3A_3] : memref<3x102400xf32, #tpu.memory_space<vmem>>, vector<1x102400xf32>
    %get3A_5 = arith.constant 2 : index
    %get3A_6 = arith.constant 0 : index
    %get3A_7 = vector.load %arg0[%get3A_5, %get3A_6] : memref<3x102400xf32, #tpu.memory_space<vmem>>, vector<1x102400xf32>
    %mul3A = arith.constant 6.400000e+01 : f32
    %mul3A_8 = vector.broadcast %mul3A : f32 to vector<1x102400xf32>
    %mul3A_9 = arith.mulf %get3A_1, %mul3A_8 : vector<1x102400xf32>
    %floor3A = math.floor %mul3A_9 : vector<1x102400xf32>
    %jit3A = arith.constant 0.000000e+00 : f32
    %jit3A_10 = arith.constant 6.300000e+01 : f32
    %max3A = vector.broadcast %jit3A : f32 to vector<1x102400xf32>
    %max3A_11 = arith.maximumf %max3A, %floor3A : vector<1x102400xf32>
    %min3A = vector.broadcast %jit3A_10 : f32 to vector<1x102400xf32>
    %min3A_12 = arith.minimumf %min3A, %max3A_11 : vector<1x102400xf32>
    %convert_element_type3A = arith.fptosi %min3A_12 : vector<1x102400xf32> to vector<1x102400xi32>
    %mul3A_13 = arith.constant 6.400000e+01 : f32
    %mul3A_14 = vector.broadcast %mul3A_13 : f32 to vector<1x102400xf32>
    %mul3A_15 = arith.mulf %get3A_4, %mul3A_14 : vector<1x102400xf32>
    %floor3A_16 = math.floor %mul3A_15 : vector<1x102400xf32>
    %jit3A_17 = arith.constant 0.000000e+00 : f32
    %jit3A_18 = arith.constant 6.300000e+01 : f32
    %max3A_19 = vector.broadcast %jit3A_17 : f32 to vector<1x102400xf32>
    %max3A_20 = arith.maximumf %max3A_19, %floor3A_16 : vector<1x102400xf32>
    %min3A_21 = vector.broadcast %jit3A_18 : f32 to vector<1x102400xf32>
    %min3A_22 = arith.minimumf %min3A_21, %max3A_20 : vector<1x102400xf32>
    %convert_element_type3A_23 = arith.fptosi %min3A_22 : vector<1x102400xf32> to vector<1x102400xi32>
    %mul3A_24 = arith.constant 6.400000e+01 : f32
    %mul3A_25 = vector.broadcast %mul3A_24 : f32 to vector<1x102400xf32>
    %mul3A_26 = arith.mulf %get3A_7, %mul3A_25 : vector<1x102400xf32>
    %floor3A_27 = math.floor %mul3A_26 : vector<1x102400xf32>
    %jit3A_28 = arith.constant 0.000000e+00 : f32
    %jit3A_29 = arith.constant 6.300000e+01 : f32
    %max3A_30 = vector.broadcast %jit3A_28 : f32 to vector<1x102400xf32>
    %max3A_31 = arith.maximumf %max3A_30, %floor3A_27 : vector<1x102400xf32>
    %min3A_32 = vector.broadcast %jit3A_29 : f32 to vector<1x102400xf32>
    %min3A_33 = arith.minimumf %min3A_32, %max3A_31 : vector<1x102400xf32>
    %convert_element_type3A_34 = arith.fptosi %min3A_33 : vector<1x102400xf32> to vector<1x102400xi32>
    %mul3A_35 = arith.constant 64 : i32
    %mul3A_36 = vector.broadcast %mul3A_35 : i32 to vector<1x102400xi32>
    %mul3A_37 = arith.muli %convert_element_type3A, %mul3A_36 : vector<1x102400xi32>
    %add3A = arith.addi %mul3A_37, %convert_element_type3A_23 : vector<1x102400xi32>
    %mul3A_38 = arith.constant 64 : i32
    %mul3A_39 = vector.broadcast %mul3A_38 : i32 to vector<1x102400xi32>
    %mul3A_40 = arith.muli %add3A, %mul3A_39 : vector<1x102400xi32>
    %add3A_41 = arith.addi %mul3A_40, %convert_element_type3A_34 : vector<1x102400xi32>
    %shift_right_arithmetic3A = arith.constant 1 : i32
    %shift_right_arithmetic3A_42 = vector.broadcast %shift_right_arithmetic3A : i32 to vector<1x102400xi32>
    %shift_right_arithmetic3A_43 = arith.shrsi %convert_element_type3A, %shift_right_arithmetic3A_42 : vector<1x102400xi32>
    %mul3A_44 = arith.constant 32 : i32
    %mul3A_45 = vector.broadcast %mul3A_44 : i32 to vector<1x102400xi32>
    %mul3A_46 = arith.muli %shift_right_arithmetic3A_43, %mul3A_45 : vector<1x102400xi32>
    %shift_right_arithmetic3A_47 = arith.constant 1 : i32
    %shift_right_arithmetic3A_48 = vector.broadcast %shift_right_arithmetic3A_47 : i32 to vector<1x102400xi32>
    %shift_right_arithmetic3A_49 = arith.shrsi %convert_element_type3A_23, %shift_right_arithmetic3A_48 : vector<1x102400xi32>
    %add3A_50 = arith.addi %mul3A_46, %shift_right_arithmetic3A_49 : vector<1x102400xi32>
    %mul3A_51 = arith.constant 32 : i32
    %mul3A_52 = vector.broadcast %mul3A_51 : i32 to vector<1x102400xi32>
    %mul3A_53 = arith.muli %add3A_50, %mul3A_52 : vector<1x102400xi32>
    %shift_right_arithmetic3A_54 = arith.constant 1 : i32
    %shift_right_arithmetic3A_55 = vector.broadcast %shift_right_arithmetic3A_54 : i32 to vector<1x102400xi32>
    %shift_right_arithmetic3A_56 = arith.shrsi %convert_element_type3A_34, %shift_right_arithmetic3A_55 : vector<1x102400xi32>
    %add3A_57 = arith.addi %mul3A_53, %shift_right_arithmetic3A_56 : vector<1x102400xi32>
    %iota3A = tpu.iota {dimensions = array<i32: 1>} : vector<1x102400xi32>
    %lt3A = arith.constant 100000 : i32
    %lt3A_58 = vector.broadcast %lt3A : i32 to vector<1x102400xi32>
    %lt3A_59 = arith.cmpi slt, %iota3A, %lt3A_58 : vector<1x102400xi32>
    %jit3A_60 = arith.constant 0 : i32
    %broadcast_in_dim3A = vector.broadcast %jit3A_60 : i32 to vector<1x102400xi32>
    %select_n3A = arith.select %lt3A_59, %add3A_41, %broadcast_in_dim3A : vector<1x102400xi1>, vector<1x102400xi32>
    %get3A_61 = arith.constant 0 : index
    %get3A_62 = arith.constant 0 : index
    %get3A_63 = vector.load %arg2[%get3A_61, %get3A_62] : memref<1x3xf32, #tpu.memory_space<vmem>>, vector<1x1xf32>
    %get3A_64 = vector.extract %get3A_63[0, 0] : f32 from vector<1x1xf32>
    %get3A_65 = arith.constant 0 : index
    %get3A_66 = arith.constant 0 : index
    %get3A_67 = vector.load %arg1[%get3A_65, %get3A_66] : memref<3x102400xf32, #tpu.memory_space<vmem>>, vector<1x102400xf32>
    %mul3A_68 = vector.broadcast %get3A_64 : f32 to vector<1x102400xf32>
    %mul3A_69 = arith.mulf %mul3A_68, %get3A_67 : vector<1x102400xf32>
    %get3A_70 = arith.constant 0 : index
    %get3A_71 = arith.constant 1 : index
    %get3A_72 = vector.load %arg2[%get3A_70, %get3A_71] : memref<1x3xf32, #tpu.memory_space<vmem>>, vector<1x1xf32>
    %get3A_73 = vector.extract %get3A_72[0, 0] : f32 from vector<1x1xf32>
    %get3A_74 = arith.constant 1 : index
    %get3A_75 = arith.constant 0 : index
    %get3A_76 = vector.load %arg1[%get3A_74, %get3A_75] : memref<3x102400xf32, #tpu.memory_space<vmem>>, vector<1x102400xf32>
    %mul3A_77 = vector.broadcast %get3A_73 : f32 to vector<1x102400xf32>
    %mul3A_78 = arith.mulf %mul3A_77, %get3A_76 : vector<1x102400xf32>
    %add3A_79 = arith.addf %mul3A_69, %mul3A_78 : vector<1x102400xf32>
    %get3A_80 = arith.constant 0 : index
    %get3A_81 = arith.constant 2 : index
    %get3A_82 = vector.load %arg2[%get3A_80, %get3A_81] : memref<1x3xf32, #tpu.memory_space<vmem>>, vector<1x1xf32>
    %get3A_83 = vector.extract %get3A_82[0, 0] : f32 from vector<1x1xf32>
    %get3A_84 = arith.constant 2 : index
    %get3A_85 = arith.constant 0 : index
    %get3A_86 = vector.load %arg1[%get3A_84, %get3A_85] : memref<3x102400xf32, #tpu.memory_space<vmem>>, vector<1x102400xf32>
    %mul3A_87 = vector.broadcast %get3A_83 : f32 to vector<1x102400xf32>
    %mul3A_88 = arith.mulf %mul3A_87, %get3A_86 : vector<1x102400xf32>
    %add3A_89 = arith.addf %add3A_79, %mul3A_88 : vector<1x102400xf32>
    %get3A_90 = arith.constant 0 : index
    %get3A_91 = arith.constant 0 : index
    %get3A_92 = vector.load %arg3[%get3A_90, %get3A_91] : memref<1x1xf32, #tpu.memory_space<vmem>>, vector<1x1xf32>
    %get3A_93 = vector.extract %get3A_92[0, 0] : f32 from vector<1x1xf32>
    %add3A_94 = vector.broadcast %get3A_93 : f32 to vector<1x102400xf32>
    %add3A_95 = arith.addf %add3A_89, %add3A_94 : vector<1x102400xf32>
    %jit3A_96 = arith.constant 0.000000e+00 : f32
    %broadcast_in_dim3A_97 = vector.broadcast %jit3A_96 : f32 to vector<1x102400xf32>
    %select_n3A_98 = arith.select %lt3A_59, %add3A_95, %broadcast_in_dim3A_97 : vector<1x102400xi1>, vector<1x102400xf32>
    %swap3A = arith.constant 0 : index
    %swap3A_99 = arith.constant 0 : index
    %swap3A_100 = vector.load %arg4[%swap3A, %swap3A_99] : memref<1x102400xf32, #tpu.memory_space<vmem>>, vector<1x102400xf32>
    tpu.vector_store %arg4[%swap3A, %swap3A_99], %select_n3A_98 {strides = array<i32>} : memref<1x102400xf32, #tpu.memory_space<vmem>>, vector<1x102400xf32>,
    %jit3A_101 = arith.constant 1.000000e+00 : f32
    %jit3A_102 = arith.constant 0.000000e+00 : f32
    %broadcast_in_dim3A_103 = vector.broadcast %jit3A_101 : f32 to vector<1x102400xf32>
    %broadcast_in_dim3A_104 = vector.broadcast %jit3A_102 : f32 to vector<1x102400xf32>
    %select_n3A_105 = arith.select %lt3A_59, %broadcast_in_dim3A_103, %broadcast_in_dim3A_104 : vector<1x102400xi1>, vector<1x102400xf32>
    %swap3A_106 = arith.constant 0 : index
    %swap3A_107 = arith.constant 0 : index
    %swap3A_108 = vector.load %arg5[%swap3A_106, %swap3A_107] : memref<1x102400xf32, #tpu.memory_space<vmem>>, vector<1x102400xf32>
    tpu.vector_store %arg5[%swap3A_106, %swap3A_107], %select_n3A_105 {strides = array<i32>} : memref<1x102400xf32, #tpu.memory_space<vmem>>, vector<1x102400xf32>,
    %swap3A_109 = arith.constant 0 : index
    %swap3A_110 = arith.constant 0 : index
    %swap3A_111 = vector.load %arg6[%swap3A_109, %swap3A_110] : memref<1x102400xi32, #tpu.memory_space<vmem>>, vector<1x102400xi32>
    tpu.vector_store %arg6[%swap3A_109, %swap3A_110], %select_n3A {strides = array<i32>} : memref<1x102400xi32, #tpu.memory_space<vmem>>, vector<1x102400xi32>,
    %lt3A_112 = arith.constant 131072 : i32
    %lt3A_113 = vector.broadcast %lt3A_112 : i32 to vector<1x102400xi32>
    %lt3A_114 = arith.cmpi slt, %select_n3A, %lt3A_113 : vector<1x102400xi32>
    %jit3A_115 = arith.constant 131072 : i32
    %broadcast_in_dim3A_116 = vector.broadcast %jit3A_115 : i32 to vector<1x102400xi32>
    %select_n3A_117 = arith.select %lt3A_114, %select_n3A, %broadcast_in_dim3A_116 : vector<1x102400xi1>, vector<1x102400xi32>
    %swap3A_118 = arith.constant 0 : index
    %swap3A_119 = arith.constant 0 : index
    %swap3A_120 = vector.load %arg7[%swap3A_118, %swap3A_119] : memref<1x102400xi32, #tpu.memory_space<vmem>>, vector<1x102400xi32>
    tpu.vector_store %arg7[%swap3A_118, %swap3A_119], %select_n3A_117 {strides = array<i32>} : memref<1x102400xi32, #tpu.memory_space<vmem>>, vector<1x102400xi32>,
    %ge3A = arith.constant 131072 : i32
    %ge3A_121 = vector.broadcast %ge3A : i32 to vector<1x102400xi32>
    %ge3A_122 = arith.cmpi sge, %select_n3A, %ge3A_121 : vector<1x102400xi32>
    %sub3A = arith.constant 131072 : i32
    %sub3A_123 = vector.broadcast %sub3A : i32 to vector<1x102400xi32>
    %sub3A_124 = arith.subi %select_n3A, %sub3A_123 : vector<1x102400xi32>
    %jit3A_125 = arith.constant 131072 : i32
    %broadcast_in_dim3A_126 = vector.broadcast %jit3A_125 : i32 to vector<1x102400xi32>
    %select_n3A_127 = arith.select %ge3A_122, %sub3A_124, %broadcast_in_dim3A_126 : vector<1x102400xi1>, vector<1x102400xi32>
    %swap3A_128 = arith.constant 0 : index
    %swap3A_129 = arith.constant 0 : index
    %swap3A_130 = vector.load %arg8[%swap3A_128, %swap3A_129] : memref<1x102400xi32, #tpu.memory_space<vmem>>, vector<1x102400xi32>
    tpu.vector_store %arg8[%swap3A_128, %swap3A_129], %select_n3A_127 {strides = array<i32>} : memref<1x102400xi32, #tpu.memory_space<vmem>>, vector<1x102400xi32>,
    %jit3A_131 = arith.constant 0 : i32
    %broadcast_in_dim3A_132 = vector.broadcast %jit3A_131 : i32 to vector<1x102400xi32>
    %select_n3A_133 = arith.select %lt3A_59, %add3A_57, %broadcast_in_dim3A_132 : vector<1x102400xi1>, vector<1x102400xi32>
    %swap3A_134 = arith.constant 0 : index
    %swap3A_135 = arith.constant 0 : index
    %swap3A_136 = vector.load %arg9[%swap3A_134, %swap3A_135] : memref<1x102400xi32, #tpu.memory_space<vmem>>, vector<1x102400xi32>
    tpu.vector_store %arg9[%swap3A_134, %swap3A_135], %select_n3A_133 {strides = array<i32>} : memref<1x102400xi32, #tpu.memory_space<vmem>>, vector<1x102400xi32>,
    return
  }
}

module attributes {stable_mosaic.version = 14 : i64} {
  func.func @_k3a_body(%arg0: i32, %arg1: memref<4096x8xf32, #tpu.memory_space<vmem>>, %arg2: memref<1x32xf32, #tpu.memory_space<vmem>>, %arg3: memref<1x32xf32, #tpu.memory_space<vmem>>, %arg4: memref<32x352xf32, #tpu.memory_space<vmem>>, %arg5: memref<16x32xf32, #tpu.memory_space<vmem>>, %arg6: memref<4096x16xf32, #tpu.memory_space<vmem>>, %arg7: memref<1x1024x32xf32, #tpu.memory_space<vmem>>, %arg8: memref<1x1024x1xf32, #tpu.memory_space<vmem>>) attributes {dimension_semantics = [#tpu.dimension_semantics<arbitrary>], iteration_bounds = array<i64: 64>, scalar_prefetch = 0 : i64, scratch_operands = 0 : i64, tpu.core_type = #tpu.core_type<tc>, window_params = [{transform_indices = @transform_0, window_bounds = array<i64: 4096, 8>}, {pipeline_mode = #tpu.pipeline_mode<synchronous>, transform_indices = @transform_1, window_bounds = array<i64: 1, 32>}, {pipeline_mode = #tpu.pipeline_mode<synchronous>, transform_indices = @transform_2, window_bounds = array<i64: 1, 32>}, {pipeline_mode = #tpu.pipeline_mode<synchronous>, transform_indices = @transform_3, window_bounds = array<i64: 32, 352>}, {pipeline_mode = #tpu.pipeline_mode<synchronous>, transform_indices = @transform_4, window_bounds = array<i64: 16, 32>}, {transform_indices = @transform_5, window_bounds = array<i64: 4096, 16>}, {transform_indices = @transform_6, window_bounds = array<i64: 1, 1024, 32>}, {transform_indices = @transform_7, window_bounds = array<i64: 1, 1024, 1>}]} {
    %get3A = arith.constant 0 : index
    %get3A_0 = arith.constant 0 : index
    %get3A_1 = vector.load %arg1[%get3A, %get3A_0] : memref<4096x8xf32, #tpu.memory_space<vmem>>, vector<4096x8xf32>
    %slice3A = vector.extract_strided_slice %get3A_1 {offsets = [0, 0], sizes = [4096, 1], strides = [1, 1]} : vector<4096x8xf32> to vector<4096x1xf32>
    %slice3A_2 = vector.extract_strided_slice %get3A_1 {offsets = [0, 1], sizes = [4096, 1], strides = [1, 1]} : vector<4096x8xf32> to vector<4096x1xf32>
    %max3A = arith.constant 1.000000e+00 : f32
    %max3A_3 = vector.broadcast %max3A : f32 to vector<4096x1xf32>
    %max3A_4 = arith.maximumf %slice3A_2, %max3A_3 : vector<4096x1xf32>
    %div3A = arith.divf %slice3A, %max3A_4 : vector<4096x1xf32>
    %get3A_5 = arith.constant 0 : index
    %get3A_6 = arith.constant 0 : index
    %get3A_7 = vector.load %arg2[%get3A_5, %get3A_6] : memref<1x32xf32, #tpu.memory_space<vmem>>, vector<1x32xf32>
    %mul3A = vector.broadcast %div3A : vector<4096x1xf32> to vector<4096x32xf32>
    %mul3A_8 = vector.broadcast %get3A_7 : vector<1x32xf32> to vector<4096x32xf32>
    %mul3A_9 = arith.mulf %mul3A, %mul3A_8 : vector<4096x32xf32>
    %get3A_10 = arith.constant 0 : index
    %get3A_11 = arith.constant 0 : index
    %get3A_12 = vector.load %arg3[%get3A_10, %get3A_11] : memref<1x32xf32, #tpu.memory_space<vmem>>, vector<1x32xf32>
    %add3A = vector.broadcast %get3A_12 : vector<1x32xf32> to vector<4096x32xf32>
    %add3A_13 = arith.addf %mul3A_9, %add3A : vector<4096x32xf32>
    %gt3A = arith.constant 0.000000e+00 : f32
    %gt3A_14 = vector.broadcast %gt3A : f32 to vector<4096x32xf32>
    %gt3A_15 = arith.cmpf ogt, %add3A_13, %gt3A_14 : vector<4096x32xf32>
    %mul3A_16 = arith.constant 1.000000e-01 : f32
    %mul3A_17 = vector.broadcast %mul3A_16 : f32 to vector<4096x32xf32>
    %mul3A_18 = arith.mulf %mul3A_17, %add3A_13 : vector<4096x32xf32>
    %select_n3A = arith.select %gt3A_15, %add3A_13, %mul3A_18 : vector<4096x32xi1>, vector<4096x32xf32>
    %get3A_19 = arith.constant 0 : index
    %get3A_20 = arith.constant 0 : index
    %get3A_21 = vector.load %arg5[%get3A_19, %get3A_20] : memref<16x32xf32, #tpu.memory_space<vmem>>, vector<16x32xf32>
    %get3A_22 = arith.constant 0 : index
    %get3A_23 = arith.constant 0 : index
    %get3A_24 = vector.load %arg4[%get3A_22, %get3A_23] : memref<32x352xf32, #tpu.memory_space<vmem>>, vector<32x352xf32>
    %dot_general3A = arith.constant dense<0.000000e+00> : vector<16x352xf32>
    %dot_general3A_25 = tpu.matmul %get3A_21, %get3A_24, %dot_general3A {dimension_numbers = #tpu.dot_dimension_numbers<[1], [0], [0], [1], [0, 0, 1, 1], [], []>, transpose_lhs_hint = false} : vector<16x32xf32>, vector<32x352xf32>, vector<16x352xf32> -> vector<16x352xf32>
    %slice3A_26 = vector.extract_strided_slice %dot_general3A_25 {offsets = [0, 0], sizes = [16, 32], strides = [1, 1]} : vector<16x352xf32> to vector<16x32xf32>
    %dot_general3A_27 = arith.constant dense<0.000000e+00> : vector<4096x16xf32>
    %dot_general3A_28 = tpu.matmul %select_n3A, %slice3A_26, %dot_general3A_27 {dimension_numbers = #tpu.dot_dimension_numbers<[1], [1], [0], [0], [0, 0, 1, 0], [], []>, transpose_lhs_hint = false} : vector<4096x32xf32>, vector<16x32xf32>, vector<4096x16xf32> -> vector<4096x16xf32>
    %swap3A = arith.constant 0 : index
    %swap3A_29 = arith.constant 0 : index
    %swap3A_30 = vector.load %arg6[%swap3A, %swap3A_29] : memref<4096x16xf32, #tpu.memory_space<vmem>>, vector<4096x16xf32>
    tpu.vector_store %arg6[%swap3A, %swap3A_29], %dot_general3A_28 {strides = array<i32>} : memref<4096x16xf32, #tpu.memory_space<vmem>>, vector<4096x16xf32>,
    %mul3A_31 = vector.broadcast %slice3A_2 : vector<4096x1xf32> to vector<4096x32xf32>
    %mul3A_32 = arith.mulf %mul3A_31, %select_n3A : vector<4096x32xf32>
    %reshape3A = vector.shape_cast %mul3A_32 : vector<4096x32xf32> to vector<2048x2x32xf32>
    %slice3A_33 = vector.extract_strided_slice %reshape3A {offsets = [0, 0, 0], sizes = [2048, 1, 32], strides = [1, 1, 1]} : vector<2048x2x32xf32> to vector<2048x1x32xf32>
    %squeeze3A = vector.shape_cast %slice3A_33 : vector<2048x1x32xf32> to vector<2048x32xf32>
    %slice3A_34 = vector.extract_strided_slice %reshape3A {offsets = [0, 1, 0], sizes = [2048, 1, 32], strides = [1, 1, 1]} : vector<2048x2x32xf32> to vector<2048x1x32xf32>
    %squeeze3A_35 = vector.shape_cast %slice3A_34 : vector<2048x1x32xf32> to vector<2048x32xf32>
    %add3A_36 = arith.addf %squeeze3A, %squeeze3A_35 : vector<2048x32xf32>
    %reshape3A_37 = vector.shape_cast %add3A_36 : vector<2048x32xf32> to vector<32x2x32x32xf32>
    %slice3A_38 = vector.extract_strided_slice %reshape3A_37 {offsets = [0, 0, 0, 0], sizes = [32, 1, 32, 32], strides = [1, 1, 1, 1]} : vector<32x2x32x32xf32> to vector<32x1x32x32xf32>
    %squeeze3A_39 = vector.shape_cast %slice3A_38 : vector<32x1x32x32xf32> to vector<32x32x32xf32>
    %slice3A_40 = vector.extract_strided_slice %reshape3A_37 {offsets = [0, 1, 0, 0], sizes = [32, 1, 32, 32], strides = [1, 1, 1, 1]} : vector<32x2x32x32xf32> to vector<32x1x32x32xf32>
    %squeeze3A_41 = vector.shape_cast %slice3A_40 : vector<32x1x32x32xf32> to vector<32x32x32xf32>
    %add3A_42 = arith.addf %squeeze3A_39, %squeeze3A_41 : vector<32x32x32xf32>
    %reshape3A_43 = vector.shape_cast %add3A_42 : vector<32x32x32xf32> to vector<1024x32xf32>
    %reshape3A_44 = vector.shape_cast %slice3A_2 : vector<4096x1xf32> to vector<2048x2x1xf32>
    %slice3A_45 = vector.extract_strided_slice %reshape3A_44 {offsets = [0, 0, 0], sizes = [2048, 1, 1], strides = [1, 1, 1]} : vector<2048x2x1xf32> to vector<2048x1x1xf32>
    %squeeze3A_46 = vector.shape_cast %slice3A_45 : vector<2048x1x1xf32> to vector<2048x1xf32>
    %slice3A_47 = vector.extract_strided_slice %reshape3A_44 {offsets = [0, 1, 0], sizes = [2048, 1, 1], strides = [1, 1, 1]} : vector<2048x2x1xf32> to vector<2048x1x1xf32>
    %squeeze3A_48 = vector.shape_cast %slice3A_47 : vector<2048x1x1xf32> to vector<2048x1xf32>
    %add3A_49 = arith.addf %squeeze3A_46, %squeeze3A_48 : vector<2048x1xf32>
    %reshape3A_50 = vector.shape_cast %add3A_49 : vector<2048x1xf32> to vector<32x2x32x1xf32>
    %slice3A_51 = vector.extract_strided_slice %reshape3A_50 {offsets = [0, 0, 0, 0], sizes = [32, 1, 32, 1], strides = [1, 1, 1, 1]} : vector<32x2x32x1xf32> to vector<32x1x32x1xf32>
    %squeeze3A_52 = vector.shape_cast %slice3A_51 : vector<32x1x32x1xf32> to vector<32x32x1xf32>
    %slice3A_53 = vector.extract_strided_slice %reshape3A_50 {offsets = [0, 1, 0, 0], sizes = [32, 1, 32, 1], strides = [1, 1, 1, 1]} : vector<32x2x32x1xf32> to vector<32x1x32x1xf32>
    %squeeze3A_54 = vector.shape_cast %slice3A_53 : vector<32x1x32x1xf32> to vector<32x32x1xf32>
    %add3A_55 = arith.addf %squeeze3A_52, %squeeze3A_54 : vector<32x32x1xf32>
    %reshape3A_56 = vector.shape_cast %add3A_55 : vector<32x32x1xf32> to vector<1024x1xf32>
    %reshape3A_57 = vector.shape_cast %reshape3A_43 : vector<1024x32xf32> to vector<1x1024x32xf32>
    %swap3A_58 = arith.constant 0 : index
    %swap3A_59 = arith.constant 0 : index
    %swap3A_60 = arith.constant 0 : index
    %swap3A_61 = vector.load %arg7[%swap3A_58, %swap3A_59, %swap3A_60] : memref<1x1024x32xf32, #tpu.memory_space<vmem>>, vector<1x1024x32xf32>
    tpu.vector_store %arg7[%swap3A_58, %swap3A_59, %swap3A_60], %reshape3A_57 {strides = array<i32>} : memref<1x1024x32xf32, #tpu.memory_space<vmem>>, vector<1x1024x32xf32>,
    %reshape3A_62 = vector.shape_cast %reshape3A_56 : vector<1024x1xf32> to vector<1x1024x1xf32>
    %swap3A_63 = arith.constant 0 : index
    %swap3A_64 = arith.constant 0 : index
    %swap3A_65 = arith.constant 0 : index
    %swap3A_66 = vector.load %arg8[%swap3A_63, %swap3A_64, %swap3A_65] : memref<1x1024x1xf32, #tpu.memory_space<vmem>>, vector<1x1024x1xf32>
    tpu.vector_store %arg8[%swap3A_63, %swap3A_64, %swap3A_65], %reshape3A_62 {strides = array<i32>} : memref<1x1024x1xf32, #tpu.memory_space<vmem>>, vector<1x1024x1xf32>,
    return
  }
  func.func @transform_0(%arg0: i32) -> (i32, i32) {
    %c0_i32 = arith.constant 0 : i32
    %c0_i32_0 = arith.constant 0 : i32
    return %arg0, %c0_i32 : i32, i32
  }
  func.func @transform_1(%arg0: i32) -> (i32, i32) {
    %c0_i32 = arith.constant 0 : i32
    %c0_i32_0 = arith.constant 0 : i32
    %c0_i32_1 = arith.constant 0 : i32
    return %c0_i32, %c0_i32_0 : i32, i32
  }
  func.func @transform_2(%arg0: i32) -> (i32, i32) {
    %c0_i32 = arith.constant 0 : i32
    %c0_i32_0 = arith.constant 0 : i32
    %c0_i32_1 = arith.constant 0 : i32
    return %c0_i32, %c0_i32_0 : i32, i32
  }
  func.func @transform_3(%arg0: i32) -> (i32, i32) {
    %c0_i32 = arith.constant 0 : i32
    %c0_i32_0 = arith.constant 0 : i32
    %c0_i32_1 = arith.constant 0 : i32
    return %c0_i32, %c0_i32_0 : i32, i32
  }
  func.func @transform_4(%arg0: i32) -> (i32, i32) {
    %c0_i32 = arith.constant 0 : i32
    %c0_i32_0 = arith.constant 0 : i32
    %c0_i32_1 = arith.constant 0 : i32
    return %c0_i32, %c0_i32_0 : i32, i32
  }
  func.func @transform_5(%arg0: i32) -> (i32, i32) {
    %c0_i32 = arith.constant 0 : i32
    %c0_i32_0 = arith.constant 0 : i32
    return %arg0, %c0_i32 : i32, i32
  }
  func.func @transform_6(%arg0: i32) -> (i32, i32, i32) {
    %c0_i32 = arith.constant 0 : i32
    %c0_i32_0 = arith.constant 0 : i32
    %c0_i32_1 = arith.constant 0 : i32
    return %arg0, %c0_i32, %c0_i32_0 : i32, i32, i32
  }
  func.func @transform_7(%arg0: i32) -> (i32, i32, i32) {
    %c0_i32 = arith.constant 0 : i32
    %c0_i32_0 = arith.constant 0 : i32
    %c0_i32_1 = arith.constant 0 : i32
    return %arg0, %c0_i32, %c0_i32_0 : i32, i32, i32
  }
}

module attributes {stable_mosaic.version = 14 : i64} {
  func.func @_k3b_body(%arg0: i32, %arg1: memref<4x1024x32xf32, #tpu.memory_space<vmem>>, %arg2: memref<4x1024x1xf32, #tpu.memory_space<vmem>>, %arg3: memref<64x32xf32, #tpu.memory_space<vmem>>, %arg4: memref<1x64xf32, #tpu.memory_space<vmem>>, %arg5: memref<128x64xf32, #tpu.memory_space<vmem>>, %arg6: memref<1x128xf32, #tpu.memory_space<vmem>>, %arg7: memref<128x128xf32, #tpu.memory_space<vmem>>, %arg8: memref<1x128xf32, #tpu.memory_space<vmem>>, %arg9: memref<32x352xf32, #tpu.memory_space<vmem>>, %arg10: memref<1x32xf32, #tpu.memory_space<vmem>>, %arg11: memref<16x32xf32, #tpu.memory_space<vmem>>, %arg12: memref<1x16xf32, #tpu.memory_space<vmem>>, %arg13: memref<2048x16xf32, #tpu.memory_space<vmem>>) attributes {dimension_semantics = [#tpu.dimension_semantics<arbitrary>], iteration_bounds = array<i64: 16>, scalar_prefetch = 0 : i64, scratch_operands = 0 : i64, tpu.core_type = #tpu.core_type<tc>, window_params = [{transform_indices = @transform_0, window_bounds = array<i64: 4, 1024, 32>}, {transform_indices = @transform_1, window_bounds = array<i64: 4, 1024, 1>}, {pipeline_mode = #tpu.pipeline_mode<synchronous>, transform_indices = @transform_2, window_bounds = array<i64: 64, 32>}, {pipeline_mode = #tpu.pipeline_mode<synchronous>, transform_indices = @transform_3, window_bounds = array<i64: 1, 64>}, {pipeline_mode = #tpu.pipeline_mode<synchronous>, transform_indices = @transform_4, window_bounds = array<i64: 128, 64>}, {pipeline_mode = #tpu.pipeline_mode<synchronous>, transform_indices = @transform_5, window_bounds = array<i64: 1, 128>}, {pipeline_mode = #tpu.pipeline_mode<synchronous>, transform_indices = @transform_6, window_bounds = array<i64: 128, 128>}, {pipeline_mode = #tpu.pipeline_mode<synchronous>, transform_indices = @transform_7, window_bounds = array<i64: 1, 128>}, {pipeline_mode = #tpu.pipeline_mode<synchronous>, transform_indices = @transform_8, window_bounds = array<i64: 32, 352>}, {pipeline_mode = #tpu.pipeline_mode<synchronous>, transform_indices = @transform_9, window_bounds = array<i64: 1, 32>}, {pipeline_mode = #tpu.pipeline_mode<synchronous>, transform_indices = @transform_10, window_bounds = array<i64: 16, 32>}, {pipeline_mode = #tpu.pipeline_mode<synchronous>, transform_indices = @transform_11, window_bounds = array<i64: 1, 16>}, {transform_indices = @transform_12, window_bounds = array<i64: 2048, 16>}]} {
    %get3A = arith.constant 0 : index
    %get3A_0 = arith.constant 0 : index
    %get3A_1 = arith.constant 0 : index
    %get3A_2 = vector.load %arg1[%get3A, %get3A_0, %get3A_1] : memref<4x1024x32xf32, #tpu.memory_space<vmem>>, vector<1x1024x32xf32>
    %get3A_3 = vector.shape_cast %get3A_2 : vector<1x1024x32xf32> to vector<1024x32xf32>
    %get3A_4 = arith.constant 1 : index
    %get3A_5 = arith.constant 0 : index
    %get3A_6 = arith.constant 0 : index
    %get3A_7 = vector.load %arg1[%get3A_4, %get3A_5, %get3A_6] : memref<4x1024x32xf32, #tpu.memory_space<vmem>>, vector<1x1024x32xf32>
    %get3A_8 = vector.shape_cast %get3A_7 : vector<1x1024x32xf32> to vector<1024x32xf32>
    %add3A = arith.addf %get3A_3, %get3A_8 : vector<1024x32xf32>
    %get3A_9 = arith.constant 2 : index
    %get3A_10 = arith.constant 0 : index
    %get3A_11 = arith.constant 0 : index
    %get3A_12 = vector.load %arg1[%get3A_9, %get3A_10, %get3A_11] : memref<4x1024x32xf32, #tpu.memory_space<vmem>>, vector<1x1024x32xf32>
    %get3A_13 = vector.shape_cast %get3A_12 : vector<1x1024x32xf32> to vector<1024x32xf32>
    %get3A_14 = arith.constant 3 : index
    %get3A_15 = arith.constant 0 : index
    %get3A_16 = arith.constant 0 : index
    %get3A_17 = vector.load %arg1[%get3A_14, %get3A_15, %get3A_16] : memref<4x1024x32xf32, #tpu.memory_space<vmem>>, vector<1x1024x32xf32>
    %get3A_18 = vector.shape_cast %get3A_17 : vector<1x1024x32xf32> to vector<1024x32xf32>
    %add3A_19 = arith.addf %get3A_13, %get3A_18 : vector<1024x32xf32>
    %concatenate3A = tpu.concatenate %add3A, %add3A_19 in 0 : vector<1024x32xf32>, vector<1024x32xf32> -> vector<2048x32xf32>
    %get3A_20 = arith.constant 0 : index
    %get3A_21 = arith.constant 0 : index
    %get3A_22 = arith.constant 0 : index
    %get3A_23 = vector.load %arg2[%get3A_20, %get3A_21, %get3A_22] : memref<4x1024x1xf32, #tpu.memory_space<vmem>>, vector<1x1024x1xf32>
    %get3A_24 = vector.shape_cast %get3A_23 : vector<1x1024x1xf32> to vector<1024x1xf32>
    %get3A_25 = arith.constant 1 : index
    %get3A_26 = arith.constant 0 : index
    %get3A_27 = arith.constant 0 : index
    %get3A_28 = vector.load %arg2[%get3A_25, %get3A_26, %get3A_27] : memref<4x1024x1xf32, #tpu.memory_space<vmem>>, vector<1x1024x1xf32>
    %get3A_29 = vector.shape_cast %get3A_28 : vector<1x1024x1xf32> to vector<1024x1xf32>
    %add3A_30 = arith.addf %get3A_24, %get3A_29 : vector<1024x1xf32>
    %get3A_31 = arith.constant 2 : index
    %get3A_32 = arith.constant 0 : index
    %get3A_33 = arith.constant 0 : index
    %get3A_34 = vector.load %arg2[%get3A_31, %get3A_32, %get3A_33] : memref<4x1024x1xf32, #tpu.memory_space<vmem>>, vector<1x1024x1xf32>
    %get3A_35 = vector.shape_cast %get3A_34 : vector<1x1024x1xf32> to vector<1024x1xf32>
    %get3A_36 = arith.constant 3 : index
    %get3A_37 = arith.constant 0 : index
    %get3A_38 = arith.constant 0 : index
    %get3A_39 = vector.load %arg2[%get3A_36, %get3A_37, %get3A_38] : memref<4x1024x1xf32, #tpu.memory_space<vmem>>, vector<1x1024x1xf32>
    %get3A_40 = vector.shape_cast %get3A_39 : vector<1x1024x1xf32> to vector<1024x1xf32>
    %add3A_41 = arith.addf %get3A_35, %get3A_40 : vector<1024x1xf32>
    %concatenate3A_42 = tpu.concatenate %add3A_30, %add3A_41 in 0 : vector<1024x1xf32>, vector<1024x1xf32> -> vector<2048x1xf32>
    %max3A = arith.constant 1.000000e+00 : f32
    %max3A_43 = vector.broadcast %max3A : f32 to vector<2048x1xf32>
    %max3A_44 = arith.maximumf %concatenate3A_42, %max3A_43 : vector<2048x1xf32>
    %div3A = vector.broadcast %max3A_44 : vector<2048x1xf32> to vector<2048x32xf32>
    %div3A_45 = arith.divf %concatenate3A, %div3A : vector<2048x32xf32>
    %get3A_46 = arith.constant 0 : index
    %get3A_47 = arith.constant 0 : index
    %get3A_48 = vector.load %arg3[%get3A_46, %get3A_47] : memref<64x32xf32, #tpu.memory_space<vmem>>, vector<64x32xf32>
    %dot_general3A = arith.constant dense<0.000000e+00> : vector<2048x64xf32>
    %dot_general3A_49 = tpu.matmul %div3A_45, %get3A_48, %dot_general3A {dimension_numbers = #tpu.dot_dimension_numbers<[1], [1], [0], [0], [0, 0, 1, 0], [], []>, transpose_lhs_hint = false} : vector<2048x32xf32>, vector<64x32xf32>, vector<2048x64xf32> -> vector<2048x64xf32>
    %get3A_50 = arith.constant 0 : index
    %get3A_51 = arith.constant 0 : index
    %get3A_52 = vector.load %arg4[%get3A_50, %get3A_51] : memref<1x64xf32, #tpu.memory_space<vmem>>, vector<1x64xf32>
    %add3A_53 = vector.broadcast %get3A_52 : vector<1x64xf32> to vector<2048x64xf32>
    %add3A_54 = arith.addf %dot_general3A_49, %add3A_53 : vector<2048x64xf32>
    %gt3A = arith.constant 0.000000e+00 : f32
    %gt3A_55 = vector.broadcast %gt3A : f32 to vector<2048x64xf32>
    %gt3A_56 = arith.cmpf ogt, %add3A_54, %gt3A_55 : vector<2048x64xf32>
    %mul3A = arith.constant 1.000000e-01 : f32
    %mul3A_57 = vector.broadcast %mul3A : f32 to vector<2048x64xf32>
    %mul3A_58 = arith.mulf %mul3A_57, %add3A_54 : vector<2048x64xf32>
    %select_n3A = arith.select %gt3A_56, %add3A_54, %mul3A_58 : vector<2048x64xi1>, vector<2048x64xf32>
    %gt3A_59 = arith.constant 0.000000e+00 : f32
    %gt3A_60 = vector.broadcast %gt3A_59 : f32 to vector<2048x1xf32>
    %gt3A_61 = arith.cmpf ogt, %concatenate3A_42, %gt3A_60 : vector<2048x1xf32>
    %jit3A = arith.constant 1.000000e+00 : f32
    %jit3A_62 = arith.constant 0.000000e+00 : f32
    %broadcast_in_dim3A = vector.broadcast %jit3A : f32 to vector<2048x1xf32>
    %broadcast_in_dim3A_63 = vector.broadcast %jit3A_62 : f32 to vector<2048x1xf32>
    %select_n3A_64 = arith.select %gt3A_61, %broadcast_in_dim3A, %broadcast_in_dim3A_63 : vector<2048x1xi1>, vector<2048x1xf32>
    %mul3A_65 = vector.broadcast %select_n3A_64 : vector<2048x1xf32> to vector<2048x64xf32>
    %mul3A_66 = arith.mulf %select_n3A, %mul3A_65 : vector<2048x64xf32>
    %get3A_67 = arith.constant 0 : index
    %get3A_68 = arith.constant 0 : index
    %get3A_69 = vector.load %arg5[%get3A_67, %get3A_68] : memref<128x64xf32, #tpu.memory_space<vmem>>, vector<128x64xf32>
    %dot_general3A_70 = arith.constant dense<0.000000e+00> : vector<2048x128xf32>
    %dot_general3A_71 = tpu.matmul %mul3A_66, %get3A_69, %dot_general3A_70 {dimension_numbers = #tpu.dot_dimension_numbers<[1], [1], [0], [0], [0, 0, 1, 0], [], []>, transpose_lhs_hint = false} : vector<2048x64xf32>, vector<128x64xf32>, vector<2048x128xf32> -> vector<2048x128xf32>
    %get3A_72 = arith.constant 0 : index
    %get3A_73 = arith.constant 0 : index
    %get3A_74 = vector.load %arg6[%get3A_72, %get3A_73] : memref<1x128xf32, #tpu.memory_space<vmem>>, vector<1x128xf32>
    %add3A_75 = vector.broadcast %get3A_74 : vector<1x128xf32> to vector<2048x128xf32>
    %add3A_76 = arith.addf %dot_general3A_71, %add3A_75 : vector<2048x128xf32>
    %gt3A_77 = arith.constant 0.000000e+00 : f32
    %gt3A_78 = vector.broadcast %gt3A_77 : f32 to vector<2048x128xf32>
    %gt3A_79 = arith.cmpf ogt, %add3A_76, %gt3A_78 : vector<2048x128xf32>
    %mul3A_80 = arith.constant 1.000000e-01 : f32
    %mul3A_81 = vector.broadcast %mul3A_80 : f32 to vector<2048x128xf32>
    %mul3A_82 = arith.mulf %mul3A_81, %add3A_76 : vector<2048x128xf32>
    %select_n3A_83 = arith.select %gt3A_79, %add3A_76, %mul3A_82 : vector<2048x128xi1>, vector<2048x128xf32>
    %mul3A_84 = vector.broadcast %concatenate3A_42 : vector<2048x1xf32> to vector<2048x128xf32>
    %mul3A_85 = arith.mulf %mul3A_84, %select_n3A_83 : vector<2048x128xf32>
    %reshape3A = vector.shape_cast %mul3A_85 : vector<2048x128xf32> to vector<1024x2x128xf32>
    %slice3A = vector.extract_strided_slice %reshape3A {offsets = [0, 0, 0], sizes = [1024, 1, 128], strides = [1, 1, 1]} : vector<1024x2x128xf32> to vector<1024x1x128xf32>
    %squeeze3A = vector.shape_cast %slice3A : vector<1024x1x128xf32> to vector<1024x128xf32>
    %slice3A_86 = vector.extract_strided_slice %reshape3A {offsets = [0, 1, 0], sizes = [1024, 1, 128], strides = [1, 1, 1]} : vector<1024x2x128xf32> to vector<1024x1x128xf32>
    %squeeze3A_87 = vector.shape_cast %slice3A_86 : vector<1024x1x128xf32> to vector<1024x128xf32>
    %add3A_88 = arith.addf %squeeze3A, %squeeze3A_87 : vector<1024x128xf32>
    %reshape3A_89 = vector.shape_cast %add3A_88 : vector<1024x128xf32> to vector<32x2x16x128xf32>
    %slice3A_90 = vector.extract_strided_slice %reshape3A_89 {offsets = [0, 0, 0, 0], sizes = [32, 1, 16, 128], strides = [1, 1, 1, 1]} : vector<32x2x16x128xf32> to vector<32x1x16x128xf32>
    %squeeze3A_91 = vector.shape_cast %slice3A_90 : vector<32x1x16x128xf32> to vector<32x16x128xf32>
    %slice3A_92 = vector.extract_strided_slice %reshape3A_89 {offsets = [0, 1, 0, 0], sizes = [32, 1, 16, 128], strides = [1, 1, 1, 1]} : vector<32x2x16x128xf32> to vector<32x1x16x128xf32>
    %squeeze3A_93 = vector.shape_cast %slice3A_92 : vector<32x1x16x128xf32> to vector<32x16x128xf32>
    %add3A_94 = arith.addf %squeeze3A_91, %squeeze3A_93 : vector<32x16x128xf32>
    %slice3A_95 = vector.extract_strided_slice %add3A_94 {offsets = [0, 0, 0], sizes = [16, 16, 128], strides = [1, 1, 1]} : vector<32x16x128xf32> to vector<16x16x128xf32>
    %slice3A_96 = vector.extract_strided_slice %add3A_94 {offsets = [16, 0, 0], sizes = [16, 16, 128], strides = [1, 1, 1]} : vector<32x16x128xf32> to vector<16x16x128xf32>
    %add3A_97 = arith.addf %slice3A_95, %slice3A_96 : vector<16x16x128xf32>
    %reshape3A_98 = vector.shape_cast %add3A_97 : vector<16x16x128xf32> to vector<256x128xf32>
    %reshape3A_99 = vector.shape_cast %concatenate3A_42 : vector<2048x1xf32> to vector<1024x2x1xf32>
    %slice3A_100 = vector.extract_strided_slice %reshape3A_99 {offsets = [0, 0, 0], sizes = [1024, 1, 1], strides = [1, 1, 1]} : vector<1024x2x1xf32> to vector<1024x1x1xf32>
    %squeeze3A_101 = vector.shape_cast %slice3A_100 : vector<1024x1x1xf32> to vector<1024x1xf32>
    %slice3A_102 = vector.extract_strided_slice %reshape3A_99 {offsets = [0, 1, 0], sizes = [1024, 1, 1], strides = [1, 1, 1]} : vector<1024x2x1xf32> to vector<1024x1x1xf32>
    %squeeze3A_103 = vector.shape_cast %slice3A_102 : vector<1024x1x1xf32> to vector<1024x1xf32>
    %add3A_104 = arith.addf %squeeze3A_101, %squeeze3A_103 : vector<1024x1xf32>
    %reshape3A_105 = vector.shape_cast %add3A_104 : vector<1024x1xf32> to vector<32x2x16x1xf32>
    %slice3A_106 = vector.extract_strided_slice %reshape3A_105 {offsets = [0, 0, 0, 0], sizes = [32, 1, 16, 1], strides = [1, 1, 1, 1]} : vector<32x2x16x1xf32> to vector<32x1x16x1xf32>
    %squeeze3A_107 = vector.shape_cast %slice3A_106 : vector<32x1x16x1xf32> to vector<32x16x1xf32>
    %slice3A_108 = vector.extract_strided_slice %reshape3A_105 {offsets = [0, 1, 0, 0], sizes = [32, 1, 16, 1], strides = [1, 1, 1, 1]} : vector<32x2x16x1xf32> to vector<32x1x16x1xf32>
    %squeeze3A_109 = vector.shape_cast %slice3A_108 : vector<32x1x16x1xf32> to vector<32x16x1xf32>
    %add3A_110 = arith.addf %squeeze3A_107, %squeeze3A_109 : vector<32x16x1xf32>
    %slice3A_111 = vector.extract_strided_slice %add3A_110 {offsets = [0, 0, 0], sizes = [16, 16, 1], strides = [1, 1, 1]} : vector<32x16x1xf32> to vector<16x16x1xf32>
    %slice3A_112 = vector.extract_strided_slice %add3A_110 {offsets = [16, 0, 0], sizes = [16, 16, 1], strides = [1, 1, 1]} : vector<32x16x1xf32> to vector<16x16x1xf32>
    %add3A_113 = arith.addf %slice3A_111, %slice3A_112 : vector<16x16x1xf32>
    %reshape3A_114 = vector.shape_cast %add3A_113 : vector<16x16x1xf32> to vector<256x1xf32>
    %max3A_115 = arith.constant 1.000000e+00 : f32
    %max3A_116 = vector.broadcast %max3A_115 : f32 to vector<256x1xf32>
    %max3A_117 = arith.maximumf %reshape3A_114, %max3A_116 : vector<256x1xf32>
    %div3A_118 = vector.broadcast %max3A_117 : vector<256x1xf32> to vector<256x128xf32>
    %div3A_119 = arith.divf %reshape3A_98, %div3A_118 : vector<256x128xf32>
    %get3A_120 = arith.constant 0 : index
    %get3A_121 = arith.constant 0 : index
    %get3A_122 = vector.load %arg7[%get3A_120, %get3A_121] : memref<128x128xf32, #tpu.memory_space<vmem>>, vector<128x128xf32>
    %dot_general3A_123 = arith.constant dense<0.000000e+00> : vector<256x128xf32>
    %dot_general3A_124 = tpu.matmul %div3A_119, %get3A_122, %dot_general3A_123 {dimension_numbers = #tpu.dot_dimension_numbers<[1], [1], [0], [0], [0, 0, 1, 0], [], []>, transpose_lhs_hint = false} : vector<256x128xf32>, vector<128x128xf32>, vector<256x128xf32> -> vector<256x128xf32>
    %get3A_125 = arith.constant 0 : index
    %get3A_126 = arith.constant 0 : index
    %get3A_127 = vector.load %arg8[%get3A_125, %get3A_126] : memref<1x128xf32, #tpu.memory_space<vmem>>, vector<1x128xf32>
    %add3A_128 = vector.broadcast %get3A_127 : vector<1x128xf32> to vector<256x128xf32>
    %add3A_129 = arith.addf %dot_general3A_124, %add3A_128 : vector<256x128xf32>
    %gt3A_130 = arith.constant 0.000000e+00 : f32
    %gt3A_131 = vector.broadcast %gt3A_130 : f32 to vector<256x128xf32>
    %gt3A_132 = arith.cmpf ogt, %add3A_129, %gt3A_131 : vector<256x128xf32>
    %mul3A_133 = arith.constant 1.000000e-01 : f32
    %mul3A_134 = vector.broadcast %mul3A_133 : f32 to vector<256x128xf32>
    %mul3A_135 = arith.mulf %mul3A_134, %add3A_129 : vector<256x128xf32>
    %select_n3A_136 = arith.select %gt3A_132, %add3A_129, %mul3A_135 : vector<256x128xi1>, vector<256x128xf32>
    %get3A_137 = arith.constant 0 : index
    %get3A_138 = arith.constant 0 : index
    %get3A_139 = vector.load %arg11[%get3A_137, %get3A_138] : memref<16x32xf32, #tpu.memory_space<vmem>>, vector<16x32xf32>
    %get3A_140 = arith.constant 0 : index
    %get3A_141 = arith.constant 0 : index
    %get3A_142 = vector.load %arg9[%get3A_140, %get3A_141] : memref<32x352xf32, #tpu.memory_space<vmem>>, vector<32x352xf32>
    %dot_general3A_143 = arith.constant dense<0.000000e+00> : vector<16x352xf32>
    %dot_general3A_144 = tpu.matmul %get3A_139, %get3A_142, %dot_general3A_143 {dimension_numbers = #tpu.dot_dimension_numbers<[1], [0], [0], [1], [0, 0, 1, 1], [], []>, transpose_lhs_hint = false} : vector<16x32xf32>, vector<32x352xf32>, vector<16x352xf32> -> vector<16x352xf32>
    %get3A_145 = arith.constant 0 : index
    %get3A_146 = arith.constant 0 : index
    %get3A_147 = vector.load %arg10[%get3A_145, %get3A_146] : memref<1x32xf32, #tpu.memory_space<vmem>>, vector<1x32xf32>
    %get3A_148 = arith.constant 0 : index
    %get3A_149 = arith.constant 0 : index
    %get3A_150 = vector.load %arg11[%get3A_148, %get3A_149] : memref<16x32xf32, #tpu.memory_space<vmem>>, vector<16x32xf32>
    %dot_general3A_151 = arith.constant dense<0.000000e+00> : vector<1x16xf32>
    %dot_general3A_152 = tpu.matmul %get3A_147, %get3A_150, %dot_general3A_151 {dimension_numbers = #tpu.dot_dimension_numbers<[1], [1], [0], [0], [0, 0, 1, 0], [], []>, transpose_lhs_hint = false} : vector<1x32xf32>, vector<16x32xf32>, vector<1x16xf32> -> vector<1x16xf32>
    %get3A_153 = arith.constant 0 : index
    %get3A_154 = arith.constant 0 : index
    %get3A_155 = vector.load %arg12[%get3A_153, %get3A_154] : memref<1x16xf32, #tpu.memory_space<vmem>>, vector<1x16xf32>
    %add3A_156 = arith.addf %dot_general3A_152, %get3A_155 : vector<1x16xf32>
    %slice3A_157 = vector.extract_strided_slice %dot_general3A_144 {offsets = [0, 224], sizes = [16, 128], strides = [1, 1]} : vector<16x352xf32> to vector<16x128xf32>
    %dot_general3A_158 = arith.constant dense<0.000000e+00> : vector<256x16xf32>
    %dot_general3A_159 = tpu.matmul %select_n3A_136, %slice3A_157, %dot_general3A_158 {dimension_numbers = #tpu.dot_dimension_numbers<[1], [1], [0], [0], [0, 0, 1, 0], [], []>, transpose_lhs_hint = false} : vector<256x128xf32>, vector<16x128xf32>, vector<256x16xf32> -> vector<256x16xf32>
    %reshape3A_160 = vector.shape_cast %dot_general3A_159 : vector<256x16xf32> to vector<16x16x16xf32>
    %broadcast_in_dim3A_161 = vector.shape_cast %reshape3A_160 : vector<16x16x16xf32> to vector<16x16x1x16xf32>
    %broadcast_in_dim3A_162 = vector.shape_cast %broadcast_in_dim3A_161 : vector<16x16x1x16xf32> to vector<16x16x1x16xf32>
    %broadcast_in_dim3A_163 = vector.broadcast %broadcast_in_dim3A_162 : vector<16x16x1x16xf32> to vector<16x16x2x16xf32>
    %reshape3A_164 = vector.shape_cast %broadcast_in_dim3A_163 : vector<16x16x2x16xf32> to vector<16x32x16xf32>
    %broadcast_in_dim3A_165 = vector.shape_cast %reshape3A_164 : vector<16x32x16xf32> to vector<16x1x32x16xf32>
    %broadcast_in_dim3A_166 = vector.shape_cast %broadcast_in_dim3A_165 : vector<16x1x32x16xf32> to vector<16x1x32x16xf32>
    %broadcast_in_dim3A_167 = vector.broadcast %broadcast_in_dim3A_166 : vector<16x1x32x16xf32> to vector<16x2x32x16xf32>
    %reshape3A_168 = vector.shape_cast %broadcast_in_dim3A_167 : vector<16x2x32x16xf32> to vector<32x32x16xf32>
    %broadcast_in_dim3A_169 = vector.shape_cast %reshape3A_168 : vector<32x32x16xf32> to vector<1x32x32x16xf32>
    %broadcast_in_dim3A_170 = vector.shape_cast %broadcast_in_dim3A_169 : vector<1x32x32x16xf32> to vector<1x32x32x16xf32>
    %broadcast_in_dim3A_171 = vector.broadcast %broadcast_in_dim3A_170 : vector<1x32x32x16xf32> to vector<2x32x32x16xf32>
    %reshape3A_172 = vector.shape_cast %broadcast_in_dim3A_171 : vector<2x32x32x16xf32> to vector<2048x16xf32>
    %slice3A_173 = vector.extract_strided_slice %dot_general3A_144 {offsets = [0, 32], sizes = [16, 64], strides = [1, 1]} : vector<16x352xf32> to vector<16x64xf32>
    %dot_general3A_174 = arith.constant dense<0.000000e+00> : vector<2048x16xf32>
    %dot_general3A_175 = tpu.matmul %select_n3A, %slice3A_173, %dot_general3A_174 {dimension_numbers = #tpu.dot_dimension_numbers<[1], [1], [0], [0], [0, 0, 1, 0], [], []>, transpose_lhs_hint = false} : vector<2048x64xf32>, vector<16x64xf32>, vector<2048x16xf32> -> vector<2048x16xf32>
    %slice3A_176 = vector.extract_strided_slice %dot_general3A_144 {offsets = [0, 96], sizes = [16, 128], strides = [1, 1]} : vector<16x352xf32> to vector<16x128xf32>
    %dot_general3A_177 = arith.constant dense<0.000000e+00> : vector<2048x16xf32>
    %dot_general3A_178 = tpu.matmul %select_n3A_83, %slice3A_176, %dot_general3A_177 {dimension_numbers = #tpu.dot_dimension_numbers<[1], [1], [0], [0], [0, 0, 1, 0], [], []>, transpose_lhs_hint = false} : vector<2048x128xf32>, vector<16x128xf32>, vector<2048x16xf32> -> vector<2048x16xf32>
    %add3A_179 = arith.addf %dot_general3A_175, %dot_general3A_178 : vector<2048x16xf32>
    %add3A_180 = arith.addf %add3A_179, %reshape3A_172 : vector<2048x16xf32>
    %add3A_181 = vector.broadcast %add3A_156 : vector<1x16xf32> to vector<2048x16xf32>
    %add3A_182 = arith.addf %add3A_180, %add3A_181 : vector<2048x16xf32>
    %swap3A = arith.constant 0 : index
    %swap3A_183 = arith.constant 0 : index
    %swap3A_184 = vector.load %arg13[%swap3A, %swap3A_183] : memref<2048x16xf32, #tpu.memory_space<vmem>>, vector<2048x16xf32>
    tpu.vector_store %arg13[%swap3A, %swap3A_183], %add3A_182 {strides = array<i32>} : memref<2048x16xf32, #tpu.memory_space<vmem>>, vector<2048x16xf32>,
    return
  }
  func.func @transform_0(%arg0: i32) -> (i32, i32, i32) {
    %c0_i32 = arith.constant 0 : i32
    %c0_i32_0 = arith.constant 0 : i32
    %c0_i32_1 = arith.constant 0 : i32
    return %arg0, %c0_i32, %c0_i32_0 : i32, i32, i32
  }
  func.func @transform_1(%arg0: i32) -> (i32, i32, i32) {
    %c0_i32 = arith.constant 0 : i32
    %c0_i32_0 = arith.constant 0 : i32
    %c0_i32_1 = arith.constant 0 : i32
    return %arg0, %c0_i32, %c0_i32_0 : i32, i32, i32
  }
  func.func @transform_2(%arg0: i32) -> (i32, i32) {
    %c0_i32 = arith.constant 0 : i32
    %c0_i32_0 = arith.constant 0 : i32
    %c0_i32_1 = arith.constant 0 : i32
    return %c0_i32, %c0_i32_0 : i32, i32
  }
  func.func @transform_3(%arg0: i32) -> (i32, i32) {
    %c0_i32 = arith.constant 0 : i32
    %c0_i32_0 = arith.constant 0 : i32
    %c0_i32_1 = arith.constant 0 : i32
    return %c0_i32, %c0_i32_0 : i32, i32
  }
  func.func @transform_4(%arg0: i32) -> (i32, i32) {
    %c0_i32 = arith.constant 0 : i32
    %c0_i32_0 = arith.constant 0 : i32
    %c0_i32_1 = arith.constant 0 : i32
    return %c0_i32, %c0_i32_0 : i32, i32
  }
  func.func @transform_5(%arg0: i32) -> (i32, i32) {
    %c0_i32 = arith.constant 0 : i32
    %c0_i32_0 = arith.constant 0 : i32
    %c0_i32_1 = arith.constant 0 : i32
    return %c0_i32, %c0_i32_0 : i32, i32
  }
  func.func @transform_6(%arg0: i32) -> (i32, i32) {
    %c0_i32 = arith.constant 0 : i32
    %c0_i32_0 = arith.constant 0 : i32
    %c0_i32_1 = arith.constant 0 : i32
    return %c0_i32, %c0_i32_0 : i32, i32
  }
  func.func @transform_7(%arg0: i32) -> (i32, i32) {
    %c0_i32 = arith.constant 0 : i32
    %c0_i32_0 = arith.constant 0 : i32
    %c0_i32_1 = arith.constant 0 : i32
    return %c0_i32, %c0_i32_0 : i32, i32
  }
  func.func @transform_8(%arg0: i32) -> (i32, i32) {
    %c0_i32 = arith.constant 0 : i32
    %c0_i32_0 = arith.constant 0 : i32
    %c0_i32_1 = arith.constant 0 : i32
    return %c0_i32, %c0_i32_0 : i32, i32
  }
  func.func @transform_9(%arg0: i32) -> (i32, i32) {
    %c0_i32 = arith.constant 0 : i32
    %c0_i32_0 = arith.constant 0 : i32
    %c0_i32_1 = arith.constant 0 : i32
    return %c0_i32, %c0_i32_0 : i32, i32
  }
  func.func @transform_10(%arg0: i32) -> (i32, i32) {
    %c0_i32 = arith.constant 0 : i32
    %c0_i32_0 = arith.constant 0 : i32
    %c0_i32_1 = arith.constant 0 : i32
    return %c0_i32, %c0_i32_0 : i32, i32
  }
  func.func @transform_11(%arg0: i32) -> (i32, i32) {
    %c0_i32 = arith.constant 0 : i32
    %c0_i32_0 = arith.constant 0 : i32
    %c0_i32_1 = arith.constant 0 : i32
    return %c0_i32, %c0_i32_0 : i32, i32
  }
  func.func @transform_12(%arg0: i32) -> (i32, i32) {
    %c0_i32 = arith.constant 0 : i32
    %c0_i32_0 = arith.constant 0 : i32
    return %arg0, %c0_i32 : i32, i32
  }
}

</mosaic_0001>

<sc_bundles>
// kernel: kernel.10.cloned.1.call-start
scs
__scs_entry_jumppad:
0x0: {  	(pc) =	sbr.rel $0x88, $3  }
0x1: {  	(tag) =	ssettag $0x0;
	lr =	simm.s32 $0x1  }
0x2: {  	[smem:$0x3F92] =	sst lr;
	_ =	strace $0xD0000000  }
0x3: {  	_ = 	snop  }
0x4: {  	_ = 	snop  }
0x5: {  	_ = 	snop  }
0x6: {  	_ = 	snop  }
0x7: {  	_ = 	snop  }
__scs_overlays_trampoline_lowered:
0x8: {  	[smem:$0x3FA1] =	sst s0  }
0x9: {  	[smem:$0x3FA2] =	sst s1  }
0xa: {  	[smem:$0x3FA3] =	sst s2  }
0xb: {  	[smem:$0x3FA4] =	sst s3  }
0xc: {  	[smem:$0x3FA5] =	sst s4  }
0xd: {  	[smem:$0x3FA6] =	sst s5  }
0xe: {  	[smem:$0x3FA7] =	sst s6  }
0xf: {  	[smem:$0x3FA8] =	sst s7  }
0x10: {  	[smem:$0x3FA9] =	sst s8  }
0x11: {  	[smem:$0x3FAA] =	sst s9;
	s0 =	simm.s32 @!p0 $0x0  }
0x12: {  	s1 =	sld [smem:$0x3F90];
	s0 =	simm.s32 @p0 $0x1  }
0x13: {  	[smem:$0x3FAB] =	sst s0;
	s0 =	simm.s32 @!p1 $0x0  }
0x14: {  	s2 =	sld [smem:$0x3F8F];
	s0 =	simm.s32 @p1 $0x1  }
0x15: {  	[smem:$0x3FAC] =	sst s0;
	s0 =	simm.s32 @!p2 $0x0  }
0x16: {  	s3 =	sld [smem:$0x3FDB];
	s0 =	simm.s32 @p2 $0x1  }
0x17: {  	s4 =	simm.s32 $0x1BF5;
	[smem:$0x3FAE] =	sst s0  }
0x18: {  	s0 =	sld [smem:$0x3F91];
	_ =	swait.ge [sflag:s4], $0x0  }
0x19: {  	s7 =	sld [smem:$0x3F92]  }
0x1a: {  	s8 =	sadd.s32 $0xFFFFE003, lr  }
0x1b: {  	s9 =	sadd.s32 $0xFFFFFEF7, lr;
	s5 =	simm.s32 $0xFFFFFFFF;
	p2 =	slt.u32 s8, $0xFFFFF086  }
0x1c: {  	p1 =	slt.u32 s9, $0xF7A;
	s5 =	simm.s32 @!p2 $0x0  }
0x1d: {  	s5 =	simm.s32 @p1 $0x1;
	p0 =	seq.s32 s7, s2  }
0x1e: {  	s7 =	smul.u32 @!p0 $0xF7A, s2;
	p2 =	seq.s32 @!p0 s5, $0x0  }
0x1f: {  	s9 =	smul.u32 $0xF7A, s1;
	s8 =	simm.s32 @!p0 $0x1BF5;
	p2 =	por !p2, p0  }
0x20: {  	[sflag:s8] =	ssyncset.s32 @!p0 $0xFFFFF086;
	s6 =	sadd.s32 @!p0 s3, s7;
	s7 =	simm.s32 @!p0 $0x108  }
0x21: {  	s3 =	sadd.s32 s3, s9;
	s6 =	sadd.s32 @!p0 $0x88, s6;
	s7 =	simm.s32 @p2 $0x1082  }
0x22: {  	[simem:s7], [sflag:s8] =	dma.local @!p0 [hbm:s6], $0xF7A  }
0x23: {  	s9 =	sor.u32 $0xD0000000, s2;
	s6 =	simm.s32 $0x108;
	_ =	swait.ge @!p0 [sflag:s8], $0x0  }
0x24: {  	s3 =	sadd.s32 $0x88, s3;
	s6 =	simm.s32 @!p1 $0x1082;
	[sflag:s4] =	ssyncset.s32 $0xFFFFF086  }
0x25: {  	[simem:s6], [sflag:s4] =	dma.local [hbm:s3], $0xF7A  }
0x26: {  	[smem:$0x3F92] =	sst s1;
	(tag) =	ssettag s2;
	_ =	strace s9  }
0x27: {  	s1 =	sld [smem:$0x3FA2]  }
0x28: {  	s2 =	sld [smem:$0x3FA3]  }
0x29: {  	s4 =	sld [smem:$0x3FA5]  }
0x2a: {  	p0 =	seq.s32 s5, $0x0;
	s5 =	sld [smem:$0x3FA6]  }
0x2b: {  	s6 =	sld [smem:$0x3FA7]  }
0x2c: {  	s7 =	sld [smem:$0x3FA8]  }
0x2d: {  	s3 =	simm.s32 $0x108;
	s8 =	sld [smem:$0x3FA9]  }
0x2e: {  	s3 =	simm.s32 @!p0 $0x1082;
	s9 =	sld [smem:$0x3FAA]  }
0x2f: {  	lr =	sadd.s32 s0, s3;
	s0 =	sld [smem:$0x3FA1]  }
0x30: {  	s3 =	sld [smem:$0x3FA4]  }
0x31: {  	[smem:$0x3FAD] =	sst s10  }
0x32: {  	s10 =	sld [smem:$0x3FAB];
	_ =	sdelay $0x3  }
0x33: {  	p0 =	seq.s32 s10, $0x1;
	s10 =	sld [smem:$0x3FAD];
	_ =	sdelay $0x3  }
0x34: {  	[smem:$0x3FAD] =	sst s10  }
0x35: {  	s10 =	sld [smem:$0x3FAC];
	_ =	sdelay $0x3  }
0x36: {  	p1 =	seq.s32 s10, $0x1;
	s10 =	sld [smem:$0x3FAD];
	_ =	sdelay $0x3  }
0x37: {  	[smem:$0x3FAD] =	sst s10  }
0x38: {  	s10 =	sld [smem:$0x3FAE]  }
0x39: {  	_ = 	snop;
	(pc) =	sbr.ind lr, $3  }
0x3a: {  	_ = 	snop  }
0x3b: {  	_ = 	snop  }
0x3c: {  	p2 =	seq.s32 s10, $0x1;
	s10 =	sld [smem:$0x3FAD]  }
0x3d: {  	_ =	shalt  }
0x3e: {  	_ =	shalt  }
0x3f: {  	_ =	shalt  }
0x40: {  	_ =	shalt  }
0x41: {  	_ =	shalt  }
0x42: {  	_ =	shalt  }
0x43: {  	_ =	shalt  }
0x44: {  	_ =	shalt  }
0x45: {  	_ =	shalt  }
0x46: {  	_ =	shalt  }
0x47: {  	_ =	shalt  }
0x48: {  	_ =	shalt  }
0x49: {  	_ =	shalt  }
0x4a: {  	_ =	shalt  }
0x4b: {  	_ =	shalt  }
0x4c: {  	_ =	shalt  }
0x4d: {  	_ =	shalt  }
0x4e: {  	_ =	shalt  }
0x4f: {  	_ =	shalt  }
0x50: {  	_ =	shalt  }
0x51: {  	_ =	shalt  }
0x52: {  	_ =	shalt  }
0x53: {  	_ =	shalt  }
0x54: {  	_ =	shalt  }
0x55: {  	_ =	shalt  }
0x56: {  	_ =	shalt  }
0x57: {  	_ =	shalt  }
0x58: {  	_ =	shalt  }
0x59: {  	_ =	shalt  }
0x5a: {  	_ =	shalt  }
0x5b: {  	_ =	shalt  }
0x5c: {  	_ =	shalt  }
0x5d: {  	_ =	shalt  }
0x5e: {  	_ =	shalt  }
0x5f: {  	_ =	shalt  }
0x60: {  	_ =	shalt  }
0x61: {  	_ =	shalt  }
0x62: {  	_ =	shalt  }
0x63: {  	_ =	shalt  }
0x64: {  	_ =	shalt  }
0x65: {  	_ =	shalt  }
0x66: {  	_ =	shalt  }
0x67: {  	_ =	shalt  }
0x68: {  	_ =	shalt  }
0x69: {  	_ =	shalt  }
0x6a: {  	_ =	shalt  }
0x6b: {  	_ =	shalt  }
0x6c: {  	_ =	shalt  }
0x6d: {  	_ =	shalt  }
0x6e: {  	_ =	shalt  }
0x6f: {  	_ =	shalt  }
0x70: {  	_ =	shalt  }
0x71: {  	_ =	shalt  }
0x72: {  	_ =	shalt  }
0x73: {  	_ =	shalt  }
0x74: {  	_ =	shalt  }
0x75: {  	_ =	shalt  }
0x76: {  	_ =	shalt  }
0x77: {  	_ =	shalt  }
0x78: {  	_ =	shalt  }
0x79: {  	_ =	shalt  }
0x7a: {  	_ =	shalt  }
0x7b: {  	_ =	shalt  }
0x7c: {  	_ =	shalt  }
0x7d: {  	_ =	shalt  }
0x7e: {  	_ =	shalt  }
0x7f: {  	_ =	shalt  }
0x80: {  	_ =	shalt  }
0x81: {  	_ =	shalt  }
0x82: {  	_ =	shalt  }
0x83: {  	_ =	shalt  }
0x84: {  	_ =	shalt  }
0x85: {  	_ =	shalt  }
0x86: {  	_ =	shalt  }
0x87: {  	_ =	shalt  }
.Lfunc_end0:
.L_simem_size_0:
called_computation.1_lowered:
.L_overlay_start_0:
0x88: {  	s2 =	sld [smem:$0x3FD9]  }
0x89: {  	s3 =	sld [smem:$0x3FFE];
	_ =	sdelay $0x1  }
0x8a: {  	s1 =	srdreg.scid  }
0x8b: {  	s0 =	sand.u32 $0x1, s1  }
0x8c: {  	s17 =	sshll.u32 s0, $0xA;
	s2 =	sadd.s32 s3, s2  }
0x8d: {  	s2 =	sadd.s32 s2, s17  }
0x8e: {  	[smem:$0x3FB9] =	sst s2  }
0x8f: {  	_ = 	snop  }
0x90: {  	s2 =	sld [smem:$0x3FD0];
	(tm) =	ssettm $0x1  }
0x91: {  	s18 =	sld [smem:$0x3FFB];
	_ =	sdelay $0x3  }
0x92: {  	_ =	strace s18  }
0x93: {  	s3 =	sld [smem:$0x3FFC];
	_ =	sdelay $0x3  }
0x94: {  	_ =	strace s3  }
0x95: {  	s3 =	sld [smem:$0x3FFD];
	_ =	sdelay $0x3  }
0x96: {  	_ =	strace s3  }
0x97: {  	_ =	strace $0x8FFFFFFF  }
0x98: {  	s19 =	sld [smem:$0x3FDB];
	_ =	sdelay $0x1  }
0x99: {  	s4 =	simm.s32 $_scs_section_size  }
0x9a: {  	s5 =	simm.s32 $_size__tile_overlayer_lowered;
	s6 =	simm.s32 $_tile_overlayer_lowered  }
0x9b: {  	s22 =	simm.s32 $0x1BFF;
	s21 =	sshll.u32 s6, $0x1;
	s3 =	sadd.s32 s4, s19  }
0x9c: {  	s7 =	simm.s32 $0x0;
	s20 =	sshll.u32 s5, $0x1;
	s5 =	sadd.s32 s21, s3  }
0x9d: {  	[timem:s7], [sflag:s22] =	dma.local [hbm:s5], s20  }
0x9e: {  	_ =	swait.ge [sflag:s22], s20  }
0x9f: {  	s4 =	ssub.s32 $0x0, s20;
	[sflag:s22] =	ssyncset.done $0x0  }
0xa0: {  	[sflag:s22] =	ssyncadd.s32 s4;
	_ =	sdelay $0x1  }
0xa1: {  	s23 =	simm.s32 $0x1B8B  }
0xa2: {  	_ =	swait.ge [sflag:s23], $0x1  }
0xa3: {  	[sflag:s23] =	ssyncset.done $0x0  }
0xa4: {  	s25 =	simm.s32 $0x1B8E;
	s24 =	sld [smem:$0x3FFE];
	[sflag:s23] =	ssyncadd.s32 $0xFFFFFFFF  }
0xa5: {  	s26 =	simm.s32 $execute0_lowered;
	[smem:$0x3FD2] =	sst s25  }
0xa6: {  	s5 =	sshll.u32 s26, $0x1;
	_ =	strace $0x80000049;
	[dreg:$0x1] =	wrdreg $0xFFFFFFFF  }
0xa7: {  	s28 =	simm.s32 $_size_execute0_lowered;
	s3 =	sadd.s32 s3, s5;
	[dreg:$0x0] =	wrdreg $0x0  }
0xa8: {  	s5 =	sshll.u32 s28, $0x1;
	[dreg:$0x2] =	wrdreg s3  }
0xa9: {  	[dreg:$0x3] =	wrdreg s5  }
0xaa: {  	[dreg:$0x4] =	wrdreg $0xC0  }
0xab: {  	_ =	task [dreg:s7], $0x5FFFF  }
0xac: {  	[dreg:$0x1] =	wrdreg $0xFFFFFFFF  }
0xad: {  	[dreg:$0x0] =	wrdreg $0x60  }
0xae: {  	[dreg:$0x2] =	wrdreg s24  }
0xaf: {  	[dreg:$0x3] =	wrdreg s2  }
0xb0: {  	[dreg:$0x4] =	wrdreg $0x9  }
0xb1: {  	_ =	task.clear_ibuf [dreg:s7], $0x5FFFF;
	_ =	strace $0x90000049  }
0xb2: {  	s29 =	simm.s32 $0x9;
	_ =	strace $0x8000004B  }
0xb3: {  	_ =	swait.ge [sflag:s29], $0x1  }
0xb4: {  	[sflag:s29] =	ssyncadd.s32 $0xFFFFFFFF  }
0xb5: {  	_ =	strace $0x9000004B  }
0xb6: {  	_ =	sfence  }
0xb7: {  	s30 =	sld [smem:$0x0];
	_ =	sdelay $0x2  }
0xb8: {  	s31 =	sshll.u32 s1, $0xD;
	s1 =	sshrl.u32 s1, $0x2  }
0xb9: {  	s3 =	sand.u32 $0x4000, s31;
	s1 =	sadd.s32 s1, s30  }
0xba: {  	s0 =	sor.u32 s3, s0;
	s1 =	sshll.u32 s1, $0x11  }
0xbb: {  	s0 =	sor.u32 s1, s0  }
0xbc: {  	s0 =	sadd.s32 $0x8F2B, s0  }
0xbd: {  	[sflag:s0] =	ssyncadd.remote.s32 $0x1  }
0xbe: {  	_ =	sfence.sel $0xFFFF  }
0xbf: {  	[dreg:$0x0] =	wrdreg $0xFFFFFFFF;
	(pc) =	sbr.abs _section_cstart, $3  }
0xc0: {  	[dreg:$0x1] =	wrdreg $0xFFFFFFFF  }
0xc1: {  	_ =	task.clear_ibuf [dreg:s7], $0x2FFFF;
	_ =	strace $0x9FFFFFFF  }
0xc2: {  	(tm) =	ssettm $0x7FFFFFFF  }
0xc3: {  	_ =	shalt  }
tec
execute0_lowered:
.L_overlay_start_1:
0x0: {  	(tag) =	ssettag $0x1  }
0x1: {  	s0 =	srdreg.scid;
	s5 =	rddreg [dreg:$0x0]  }
0x2: {  	s2 =	rddreg [dreg:$0x1];
	s1 =	stileid.u32;
	s3 =	simm.s32 $0x0  }
0x3: {  	s11 =	simm.s32 $0x80;
	s12 =	simm.s32 $0x1;
	s4 =	sand.u32 $0x1, s0  }
0x4: {  	s13 =	simm.s32 $0x1900;
	s0 =	rddreg [dreg:$0x2];
	s6 =	sshll.u32 s4, $0x4  }
0x5: {  	s14 =	simm.s32 $0x0;
	[smem:$0x7FF] =	sst s3;
	s6 =	sor.u32 s1, s6  }
0x6: {  	_ =	strace $0x8000004A;
	s8 =	ssub.s32 $0x2, s4;
	s7 =	smul.u32 $0x190, s6  }
0x7: {  	s4 =	sadd.s32 $0x8600, s5;
	s9 =	sshrl.u32 s8, $0x1;
	s6 =	smul.u32 $0x1900, s6  }
0x8: {  	s8 =	ssub.s32 s8, s9;
	s9 =	simm.s32 $0x2;
	s7 =	sadd.s32 s7, s5  }
0x9: {  	s8 =	smax.u32 s8, $0x1;
	s10 =	sadd.s32 s6, s5;
	s5 =	sadd.s32 $0x2200, s7  }
0xa: {  	s6 =	sadd.s32 $0x5400, s7;
	s7 =	sadd.s32 $0x88600, s10;
	s10 =	simm.s32 $0xC80  }
.LBB2_1:
0xb: {  	[tilespmem:s3], [sflag:$0x2] =	stream.linear.gather [hbm4b:s5+s3], $0xC80, $0x38;
	[tilespmem:$0x1A900] =	vst v63  }
0xc: {  	_ =	swait.ge [sflag:s9], $0xC80  }
0xd: {  	[sflag:s9] =	ssyncset.done $0x0  }
0xe: {  	[sflag:s9] =	ssyncadd.s32 $0xFFFFF380  }
0xf: {  	[tilespmem:s10], [sflag:$0x2] =	stream.linear.gather [hbm4b:s6+s3], $0xC80, $0x38;
	[tilespmem:$0x1A900] =	vst v63  }
0x10: {  	_ =	swait.ge [sflag:s9], $0xC80  }
0x11: {  	[sflag:s9] =	ssyncset.done $0x0  }
0x12: {  	s15 =	simm.s32 $0x0;
	[sflag:s9] =	ssyncadd.s32 $0xFFFFF380  }
0x13: {  	[tilespmem:s13], [sflag:$0x1] =	stream.indirect.gather [hbm4b:s4+s11], $0x10, s15, s11, $0xb8;
	[tilespmem:$0x1A900] =	vst v63  }
0x14: {  	_ =	swait.ge [sflag:s12], $0x800  }
0x15: {  	[sflag:s12] =	ssyncset.done $0x0  }
0x16: {  	s31 =	simm.s32 $0xE100;
	s16 =	simm.s32 $0xC80;
	[sflag:s12] =	ssyncadd.s32 $0xFFFFF800  }
0x17: {  	[tilespmem:s31], [sflag:$0x1] =	stream.indirect.gather [hbm4b:s2+s11], $0x10, s16, s11, $0xb8;
	[tilespmem:$0x1A900] =	vst v63  }
0x18: {  	s18 =	simm.s32 $0x400;
	s17 =	simm.s32 $0x2100;
	_ =	swait.ge [sflag:s12], $0x800  }
0x19: {  	s15 =	simm.s32 $0xE900;
	s16 =	simm.s32 $0x200;
	[sflag:s12] =	ssyncset.done $0x0  }
.LBB2_2:
0x1a: {  	s19 =	sshra.s32 s16, $0x2  }
0x1b: {  	[sflag:s12] =	ssyncadd.s32 $0xFFFFF800;
	s16 =	smov.u32 s18;
	s20 =	sadd.s32 $0x200, s18  }
0x1c: {  	[tilespmem:s17], [sflag:$0x1] =	stream.indirect.gather [hbm4b:s4+s11], $0x10, s19, s11, $0xb8;
	[tilespmem:$0x1A900] =	vst v63  }
0x1d: {  	p0 =	sne.s32 s18, $0x3000;
	_ =	swait.ge [sflag:s12], $0x800  }
.Ltmp0:
0x1e: {  	[sflag:s12] =	ssyncset.done $0x0;
	(pc) =	sbr.rel @p0 .LBB2_2-.Ltmp0, $4  }
0x1f: {  	s18 =	sadd.s32 $0xC80, s19;
	[sflag:s12] =	ssyncadd.s32 $0xFFFFF800  }
0x20: {  	[tilespmem:s15], [sflag:$0x1] =	stream.indirect.gather [hbm4b:s2+s11], $0x10, s18, s11, $0xb8;
	[tilespmem:$0x1A900] =	vst v63  }
0x21: {  	s17 =	sadd.s32 $0x800, s17;
	_ =	swait.ge [sflag:s12], $0x800  }
0x22: {  	s15 =	sadd.s32 $0x800, s15;
	s18 =	smov.u32 s20;
	[sflag:s12] =	ssyncset.done $0x0  }
0x23: {  	s16 =	sshra.s32 s16, $0x2;
	[sflag:s12] =	ssyncadd.s32 $0xFFFFF800  }
0x24: {  	[tilespmem:s17], [sflag:$0x1] =	stream.indirect.gather [hbm4b:s4+s11], $0x10, s16, s11, $0xb8;
	[tilespmem:$0x1A900] =	vst v63  }
0x25: {  	_ =	swait.ge [sflag:s12], $0x800  }
0x26: {  	[sflag:s12] =	ssyncset.done $0x0  }
0x27: {  	s16 =	sadd.s32 $0xC80, s16;
	[sflag:s12] =	ssyncadd.s32 $0xFFFFF800  }
0x28: {  	[tilespmem:s15], [sflag:$0x1] =	stream.indirect.gather [hbm4b:s2+s11], $0x10, s16, s11, $0xb8;
	[tilespmem:$0x1A900] =	vst v63  }
0x29: {  	_ =	swait.ge [sflag:s12], $0x800  }
0x2a: {  	[sflag:s12] =	ssyncset.done $0x0  }
0x2b: {  	s15 =	simm.s32 $0x0;
	[sflag:s12] =	ssyncadd.s32 $0xFFFFF800  }
0x2c: {  	s16 =	simm.s32 $0x40;
	v0 =	vld [tilespmem:s15+$0xE100]  }
.LBB2_4:
0x2d: {  	p0 =	sne.s32 s16, $0x31FC0;
	v1 =	vld [tilespmem:s15+$0x1900];
	_ =	sdelay $0x2  }
.Ltmp1:
0x2e: {  	(pc) =	sbr.rel @p0 .LBB2_4-.Ltmp1, $4  }
0x2f: {  	_ = 	snop  }
0x30: {  	v1 =	vadd.f32 v0, v1  }
0x31: {  	s17 =	sshra.s32 s16, $0x2  }
0x32: {  	s16 =	sadd.s32 $0x40, s16;
	v0 =	vld [tilespmem:s17+$0xE100];
	[tilespmem:s15+$0x1900] =	vst v1;
	s15 =	smov.u32 s17  }
0x33: {  	v1 =	vld [tilespmem:s15+$0x1900];
	_ =	sdelay $0x4  }
0x34: {  	s14 =	sadd.s32 $0x1, s14;
	v0 =	vadd.f32 v0, v1  }
0x35: {  	p0 =	sne.s32 s14, s8  }
.Ltmp2:
0x36: {  	[tilespmem:s15+$0x1900] =	vst v0;
	(pc) =	sbr.rel @p0 .LBB2_1-.Ltmp2, $4  }
0x37: {  	[hbm4b:s7+s3] =	stream.linear.scatter [tilespmem:s13], [sflag:$0x2], $0xC800, $0x38;
	[tilespmem:$0x1A900] =	vst v63  }
0x38: {  	_ =	swait.ge [sflag:s9], $0xC800  }
0x39: {  	[sflag:s9] =	ssyncset.done $0x0  }
0x3a: {  	[sflag:s9] =	ssyncadd.s32 $0xFFFF3800  }
0x3b: {  	_ =	sfence.sel $0x180000  }
0x3c: {  	[bflag:$0x0] =	sbarrier.arrive $0xFFFF  }
0x3d: {  	p0 =	sne.s32 s1, $0x0;
	_ =	strace $0x9000004A  }
0x3e: {  	s0 =	sadd.s32 @!p0 $0x100000, s0;
	[bflag:$0x2] =	sbarrier.arrive $0xFFFF  }
0x3f: {  	[sflag:s0] =	ssyncadd.tile.s32 @!p0 $0x1;
	_ =	shalt  }
.Lfunc_end2:
_tile_overlayer_lowered:
.L_overlay_start_2:
0x40: {  	(tag) =	ssettag $0x2  }
0x41: {  	s0 =	rddreg [dreg:$0x0];
	s2 =	stileid.u32  }
0x42: {  	s1 =	rddreg [dreg:$0x1];
	p0 =	sne.s32 s2, $0x0  }
0x43: {  	s3 =	rddreg [dreg:$0x2];
	[bflag:$0x3] =	sbarrier.arrive $0xFFFF;
	s2 =	simm.s32 @!p0 $0x1C02  }
0x44: {  	[timem:s3], [sflag:s2] =	dma.local @!p0 [hbm:s0], s1  }
0x45: {  	s0 =	simm.s32 @!p0 $0x2  }
0x46: {  	_ =	swait.ge @!p0 [sflag:s0], s1  }
0x47: {  	s1 =	ssub.s32 @!p0 $0x0, s1;
	[sflag:s0] =	ssyncset.done @!p0 $0x0  }
0x48: {  	[sflag:s0] =	ssyncadd.s32 @!p0 s1  }
0x49: {  	[bflag:$0x3] =	sbarrier.arrive $0xFFFF  }
0x4a: {  	_ =	shalt  }

// kernel: kernel.7.cloned.1.call-start
scs
__scs_entry_jumppad:
0x0: {  	(pc) =	sbr.rel $0x88, $3  }
0x1: {  	(tag) =	ssettag $0x0;
	lr =	simm.s32 $0x1  }
0x2: {  	[smem:$0x3F92] =	sst lr;
	_ =	strace $0xD0000000  }
0x3: {  	_ = 	snop  }
0x4: {  	_ = 	snop  }
0x5: {  	_ = 	snop  }
0x6: {  	_ = 	snop  }
0x7: {  	_ = 	snop  }
__scs_overlays_trampoline_lowered:
0x8: {  	[smem:$0x3FA1] =	sst s0  }
0x9: {  	[smem:$0x3FA2] =	sst s1  }
0xa: {  	[smem:$0x3FA3] =	sst s2  }
0xb: {  	[smem:$0x3FA4] =	sst s3  }
0xc: {  	[smem:$0x3FA5] =	sst s4  }
0xd: {  	[smem:$0x3FA6] =	sst s5  }
0xe: {  	[smem:$0x3FA7] =	sst s6  }
0xf: {  	[smem:$0x3FA8] =	sst s7  }
0x10: {  	[smem:$0x3FA9] =	sst s8  }
0x11: {  	[smem:$0x3FAA] =	sst s9;
	s0 =	simm.s32 @!p0 $0x0  }
0x12: {  	s1 =	sld [smem:$0x3F90];
	s0 =	simm.s32 @p0 $0x1  }
0x13: {  	[smem:$0x3FAB] =	sst s0;
	s0 =	simm.s32 @!p1 $0x0  }
0x14: {  	s2 =	sld [smem:$0x3F8F];
	s0 =	simm.s32 @p1 $0x1  }
0x15: {  	[smem:$0x3FAC] =	sst s0;
	s0 =	simm.s32 @!p2 $0x0  }
0x16: {  	s3 =	sld [smem:$0x3FDB];
	s0 =	simm.s32 @p2 $0x1  }
0x17: {  	s4 =	simm.s32 $0x1BF5;
	[smem:$0x3FAE] =	sst s0  }
0x18: {  	s0 =	sld [smem:$0x3F91];
	_ =	swait.ge [sflag:s4], $0x0  }
0x19: {  	s7 =	sld [smem:$0x3F92]  }
0x1a: {  	s8 =	sadd.s32 $0xFFFFE003, lr  }
0x1b: {  	s9 =	sadd.s32 $0xFFFFFEF7, lr;
	s5 =	simm.s32 $0xFFFFFFFF;
	p2 =	slt.u32 s8, $0xFFFFF086  }
0x1c: {  	p1 =	slt.u32 s9, $0xF7A;
	s5 =	simm.s32 @!p2 $0x0  }
0x1d: {  	s5 =	simm.s32 @p1 $0x1;
	p0 =	seq.s32 s7, s2  }
0x1e: {  	s7 =	smul.u32 @!p0 $0xF7A, s2;
	p2 =	seq.s32 @!p0 s5, $0x0  }
0x1f: {  	s9 =	smul.u32 $0xF7A, s1;
	s8 =	simm.s32 @!p0 $0x1BF5;
	p2 =	por !p2, p0  }
0x20: {  	[sflag:s8] =	ssyncset.s32 @!p0 $0xFFFFF086;
	s6 =	sadd.s32 @!p0 s3, s7;
	s7 =	simm.s32 @!p0 $0x108  }
0x21: {  	s3 =	sadd.s32 s3, s9;
	s6 =	sadd.s32 @!p0 $0x88, s6;
	s7 =	simm.s32 @p2 $0x1082  }
0x22: {  	[simem:s7], [sflag:s8] =	dma.local @!p0 [hbm:s6], $0xF7A  }
0x23: {  	s9 =	sor.u32 $0xD0000000, s2;
	s6 =	simm.s32 $0x108;
	_ =	swait.ge @!p0 [sflag:s8], $0x0  }
0x24: {  	s3 =	sadd.s32 $0x88, s3;
	s6 =	simm.s32 @!p1 $0x1082;
	[sflag:s4] =	ssyncset.s32 $0xFFFFF086  }
0x25: {  	[simem:s6], [sflag:s4] =	dma.local [hbm:s3], $0xF7A  }
0x26: {  	[smem:$0x3F92] =	sst s1;
	(tag) =	ssettag s2;
	_ =	strace s9  }
0x27: {  	s1 =	sld [smem:$0x3FA2]  }
0x28: {  	s2 =	sld [smem:$0x3FA3]  }
0x29: {  	s4 =	sld [smem:$0x3FA5]  }
0x2a: {  	p0 =	seq.s32 s5, $0x0;
	s5 =	sld [smem:$0x3FA6]  }
0x2b: {  	s6 =	sld [smem:$0x3FA7]  }
0x2c: {  	s7 =	sld [smem:$0x3FA8]  }
0x2d: {  	s3 =	simm.s32 $0x108;
	s8 =	sld [smem:$0x3FA9]  }
0x2e: {  	s3 =	simm.s32 @!p0 $0x1082;
	s9 =	sld [smem:$0x3FAA]  }
0x2f: {  	lr =	sadd.s32 s0, s3;
	s0 =	sld [smem:$0x3FA1]  }
0x30: {  	s3 =	sld [smem:$0x3FA4]  }
0x31: {  	[smem:$0x3FAD] =	sst s10  }
0x32: {  	s10 =	sld [smem:$0x3FAB];
	_ =	sdelay $0x3  }
0x33: {  	p0 =	seq.s32 s10, $0x1;
	s10 =	sld [smem:$0x3FAD];
	_ =	sdelay $0x3  }
0x34: {  	[smem:$0x3FAD] =	sst s10  }
0x35: {  	s10 =	sld [smem:$0x3FAC];
	_ =	sdelay $0x3  }
0x36: {  	p1 =	seq.s32 s10, $0x1;
	s10 =	sld [smem:$0x3FAD];
	_ =	sdelay $0x3  }
0x37: {  	[smem:$0x3FAD] =	sst s10  }
0x38: {  	s10 =	sld [smem:$0x3FAE]  }
0x39: {  	_ = 	snop;
	(pc) =	sbr.ind lr, $3  }
0x3a: {  	_ = 	snop  }
0x3b: {  	_ = 	snop  }
0x3c: {  	p2 =	seq.s32 s10, $0x1;
	s10 =	sld [smem:$0x3FAD]  }
0x3d: {  	_ =	shalt  }
0x3e: {  	_ =	shalt  }
0x3f: {  	_ =	shalt  }
0x40: {  	_ =	shalt  }
0x41: {  	_ =	shalt  }
0x42: {  	_ =	shalt  }
0x43: {  	_ =	shalt  }
0x44: {  	_ =	shalt  }
0x45: {  	_ =	shalt  }
0x46: {  	_ =	shalt  }
0x47: {  	_ =	shalt  }
0x48: {  	_ =	shalt  }
0x49: {  	_ =	shalt  }
0x4a: {  	_ =	shalt  }
0x4b: {  	_ =	shalt  }
0x4c: {  	_ =	shalt  }
0x4d: {  	_ =	shalt  }
0x4e: {  	_ =	shalt  }
0x4f: {  	_ =	shalt  }
0x50: {  	_ =	shalt  }
0x51: {  	_ =	shalt  }
0x52: {  	_ =	shalt  }
0x53: {  	_ =	shalt  }
0x54: {  	_ =	shalt  }
0x55: {  	_ =	shalt  }
0x56: {  	_ =	shalt  }
0x57: {  	_ =	shalt  }
0x58: {  	_ =	shalt  }
0x59: {  	_ =	shalt  }
0x5a: {  	_ =	shalt  }
0x5b: {  	_ =	shalt  }
0x5c: {  	_ =	shalt  }
0x5d: {  	_ =	shalt  }
0x5e: {  	_ =	shalt  }
0x5f: {  	_ =	shalt  }
0x60: {  	_ =	shalt  }
0x61: {  	_ =	shalt  }
0x62: {  	_ =	shalt  }
0x63: {  	_ =	shalt  }
0x64: {  	_ =	shalt  }
0x65: {  	_ =	shalt  }
0x66: {  	_ =	shalt  }
0x67: {  	_ =	shalt  }
0x68: {  	_ =	shalt  }
0x69: {  	_ =	shalt  }
0x6a: {  	_ =	shalt  }
0x6b: {  	_ =	shalt  }
0x6c: {  	_ =	shalt  }
0x6d: {  	_ =	shalt  }
0x6e: {  	_ =	shalt  }
0x6f: {  	_ =	shalt  }
0x70: {  	_ =	shalt  }
0x71: {  	_ =	shalt  }
0x72: {  	_ =	shalt  }
0x73: {  	_ =	shalt  }
0x74: {  	_ =	shalt  }
0x75: {  	_ =	shalt  }
0x76: {  	_ =	shalt  }
0x77: {  	_ =	shalt  }
0x78: {  	_ =	shalt  }
0x79: {  	_ =	shalt  }
0x7a: {  	_ =	shalt  }
0x7b: {  	_ =	shalt  }
0x7c: {  	_ =	shalt  }
0x7d: {  	_ =	shalt  }
0x7e: {  	_ =	shalt  }
0x7f: {  	_ =	shalt  }
0x80: {  	_ =	shalt  }
0x81: {  	_ =	shalt  }
0x82: {  	_ =	shalt  }
0x83: {  	_ =	shalt  }
0x84: {  	_ =	shalt  }
0x85: {  	_ =	shalt  }
0x86: {  	_ =	shalt  }
0x87: {  	_ =	shalt  }
.Lfunc_end0:
.L_simem_size_0:
called_computation_lowered:
.L_overlay_start_0:
0x88: {  	s2 =	sld [smem:$0x3FD9]  }
0x89: {  	s3 =	sld [smem:$0x3FFE];
	_ =	sdelay $0x1  }
0x8a: {  	s1 =	srdreg.scid  }
0x8b: {  	s0 =	sand.u32 $0x1, s1  }
0x8c: {  	s17 =	sshll.u32 s0, $0xA;
	s2 =	sadd.s32 s3, s2  }
0x8d: {  	s2 =	sadd.s32 s2, s17  }
0x8e: {  	[smem:$0x3FB9] =	sst s2  }
0x8f: {  	_ = 	snop  }
0x90: {  	s2 =	sld [smem:$0x3FD0];
	(tm) =	ssettm $0x1  }
0x91: {  	s18 =	sld [smem:$0x3FFB];
	_ =	sdelay $0x3  }
0x92: {  	_ =	strace s18  }
0x93: {  	s3 =	sld [smem:$0x3FFC];
	_ =	sdelay $0x3  }
0x94: {  	_ =	strace s3  }
0x95: {  	s3 =	sld [smem:$0x3FFD];
	_ =	sdelay $0x3  }
0x96: {  	_ =	strace s3  }
0x97: {  	_ =	strace $0x8FFFFFFF  }
0x98: {  	s19 =	sld [smem:$0x3FDB];
	_ =	sdelay $0x1  }
0x99: {  	s4 =	simm.s32 $_scs_section_size  }
0x9a: {  	s5 =	simm.s32 $_size__tile_overlayer_lowered;
	s6 =	simm.s32 $_tile_overlayer_lowered  }
0x9b: {  	s22 =	simm.s32 $0x1BFF;
	s21 =	sshll.u32 s6, $0x1;
	s3 =	sadd.s32 s4, s19  }
0x9c: {  	s7 =	simm.s32 $0x0;
	s20 =	sshll.u32 s5, $0x1;
	s5 =	sadd.s32 s21, s3  }
0x9d: {  	[timem:s7], [sflag:s22] =	dma.local [hbm:s5], s20  }
0x9e: {  	_ =	swait.ge [sflag:s22], s20  }
0x9f: {  	s4 =	ssub.s32 $0x0, s20;
	[sflag:s22] =	ssyncset.done $0x0  }
0xa0: {  	[sflag:s22] =	ssyncadd.s32 s4;
	_ =	sdelay $0x1  }
0xa1: {  	s23 =	simm.s32 $0x1B8B  }
0xa2: {  	_ =	swait.ge [sflag:s23], $0x1  }
0xa3: {  	[sflag:s23] =	ssyncset.done $0x0  }
0xa4: {  	s25 =	simm.s32 $0x1B8E;
	s24 =	sld [smem:$0x3FFE];
	[sflag:s23] =	ssyncadd.s32 $0xFFFFFFFF  }
0xa5: {  	s26 =	simm.s32 $execute0_lowered;
	[smem:$0x3FD2] =	sst s25  }
0xa6: {  	s5 =	sshll.u32 s26, $0x1;
	_ =	strace $0x80000046;
	[dreg:$0x1] =	wrdreg $0xFFFFFFFF  }
0xa7: {  	s28 =	simm.s32 $_size_execute0_lowered;
	s3 =	sadd.s32 s3, s5;
	[dreg:$0x0] =	wrdreg $0x0  }
0xa8: {  	s5 =	sshll.u32 s28, $0x1;
	[dreg:$0x2] =	wrdreg s3  }
0xa9: {  	[dreg:$0x3] =	wrdreg s5  }
0xaa: {  	[dreg:$0x4] =	wrdreg $0xC0  }
0xab: {  	_ =	task [dreg:s7], $0x5FFFF  }
0xac: {  	[dreg:$0x1] =	wrdreg $0xFFFFFFFF  }
0xad: {  	[dreg:$0x0] =	wrdreg $0x60  }
0xae: {  	[dreg:$0x2] =	wrdreg s2  }
0xaf: {  	[dreg:$0x3] =	wrdreg s24  }
0xb0: {  	[dreg:$0x4] =	wrdreg $0xE1000  }
0xb1: {  	[dreg:$0x5] =	wrdreg $0x9  }
0xb2: {  	_ =	task.clear_ibuf [dreg:s7], $0x6FFFF;
	_ =	strace $0x90000046  }
0xb3: {  	s29 =	simm.s32 $0x9;
	_ =	strace $0x80000048  }
0xb4: {  	_ =	swait.ge [sflag:s29], $0x1  }
0xb5: {  	[sflag:s29] =	ssyncadd.s32 $0xFFFFFFFF  }
0xb6: {  	_ =	strace $0x90000048  }
0xb7: {  	_ =	sfence  }
0xb8: {  	s30 =	sld [smem:$0x0];
	_ =	sdelay $0x2  }
0xb9: {  	s31 =	sshll.u32 s1, $0xD;
	s1 =	sshrl.u32 s1, $0x2  }
0xba: {  	s3 =	sand.u32 $0x4000, s31;
	s1 =	sadd.s32 s1, s30  }
0xbb: {  	s0 =	sor.u32 s3, s0;
	s1 =	sshll.u32 s1, $0x11  }
0xbc: {  	s0 =	sor.u32 s1, s0  }
0xbd: {  	s0 =	sadd.s32 $0x8F2B, s0  }
0xbe: {  	[sflag:s0] =	ssyncadd.remote.s32 $0x1  }
0xbf: {  	_ =	sfence.sel $0xFFFF  }
0xc0: {  	[dreg:$0x0] =	wrdreg $0xFFFFFFFF;
	(pc) =	sbr.abs _section_cstart, $3  }
0xc1: {  	[dreg:$0x1] =	wrdreg $0xFFFFFFFF  }
0xc2: {  	_ =	task.clear_ibuf [dreg:s7], $0x2FFFF;
	_ =	strace $0x9FFFFFFF  }
0xc3: {  	(tm) =	ssettm $0x7FFFFFFF  }
tec
execute0_lowered:
.L_overlay_start_1:
0x0: {  	(tag) =	ssettag $0x1  }
0x1: {  	s7 =	rddreg [dreg:$0x0]  }
0x2: {  	s0 =	srdreg.scid;
	s5 =	rddreg [dreg:$0x1]  }
0x3: {  	s2 =	rddreg [dreg:$0x2];
	s1 =	stileid.u32  }
0x4: {  	s3 =	simm.s32 $0x0;
	s6 =	sand.u32 $0x1, s0;
	s0 =	rddreg [dreg:$0x3]  }
0x5: {  	[smem:$0x7FF] =	sst s3;
	s11 =	sshll.u32 s1, $0x10  }
0x6: {  	s30 =	sshll.u32 s1, $0x6;
	s13 =	smul.u32 $0x1900, s1;
	s31 =	sshll.u32 s1, $0xD  }
0x7: {  	s4 =	sshll.u32 s6, $0x4;
	_ =	strace $0x80000047;
	s9 =	ssub.s32 $0x2, s6  }
0x8: {  	s6 =	sshll.u32 s6, $0x11;
	s29 =	sadd.s32 s11, s2;
	s11 =	sor.u32 $0x8000, s11  }
0x9: {  	s4 =	sor.u32 s1, s4;
	s10 =	sshrl.u32 s9, $0x1;
	s12 =	sadd.s32 s6, s5  }
0xa: {  	s14 =	sadd.s32 s11, s2;
	s7 =	sadd.s32 s7, s13;
	s16 =	sshrl.u32 s11, $0x3  }
0xb: {  	s4 =	smul.u32 $0x320, s4;
	s9 =	ssub.s32 s9, s10;
	s15 =	sadd.s32 $0xFA00, s12  }
0xc: {  	s10 =	simm.s32 $0x1;
	s11 =	sshrl.u32 s14, $0x3;
	s12 =	simm.s32 $0x80  }
0xd: {  	s13 =	sadd.s32 s31, s15;
	s14 =	sadd.s32 s16, s15;
	s15 =	simm.s32 $0x0  }
0xe: {  	s8 =	sadd.s32 s4, s5;
	s4 =	sadd.s32 $0xEA00, s5;
	s5 =	sor.u32 $0x1C01, s30  }
0xf: {  	s6 =	sadd.s32 $0x8600, s8;
	s8 =	smax.u32 s9, $0x1;
	s9 =	sshrl.u32 s29, $0x3  }
.LBB2_1:
0x10: {  	[spmem:s9], [sflag:s5] =	dma.local [hbm:s4], $0x1000  }
0x11: {  	_ =	swait.ge [sflag:s10], $0x1000  }
0x12: {  	[sflag:s10] =	ssyncset.done $0x0  }
0x13: {  	[sflag:s10] =	ssyncadd.s32 $0xFFFFF000  }
0x14: {  	[spmem:s11], [sflag:s5] =	dma.local [hbm:s4], $0x1000  }
0x15: {  	_ =	swait.ge [sflag:s10], $0x1000  }
0x16: {  	[sflag:s10] =	ssyncset.done $0x0  }
0x17: {  	[sflag:s10] =	ssyncadd.s32 $0xFFFFF000  }
0x18: {  	[tilespmem:s3], [sflag:$0x1] =	stream.linear.gather [hbm4b:s6+s3], $0x1900, $0x38;
	[tilespmem:$0x1E108] =	vst v63  }
0x19: {  	_ =	swait.ge [sflag:s10], $0x1900  }
0x1a: {  	[sflag:s10] =	ssyncset.done $0x0  }
0x1b: {  	s16 =	simm.s32 $0x1900;
	[sflag:s10] =	ssyncadd.s32 $0xFFFFE700  }
0x1c: {  	[tilespmem:s16], [sflag:$0x1] =	stream.linear.gather [hbm4b:s7+s3], $0xC800, $0x38;
	[tilespmem:$0x1E108] =	vst v63  }
0x1d: {  	_ =	swait.ge [sflag:s10], $0xC800  }
0x1e: {  	[sflag:s10] =	ssyncset.done $0x0  }
0x1f: {  	[sflag:s10] =	ssyncadd.s32 $0xFFFF3800  }
0x20: {  	s17 =	simm.s32 $0x0;
	[bflag:$0x0] =	sbarrier.arrive $0xFFFF  }
0x21: {  	[spmem:s2] =	stream.indirect.scatter.add.f32 [tilespmem:s16], [sflag:$0x1], $0x8, s17, s12, $0xb8;
	[tilespmem:$0x1E108] =	vst v63  }
0x22: {  	_ =	swait.ge [sflag:s10], $0x400  }
0x23: {  	s17 =	simm.s32 $0x200;
	[sflag:s10] =	ssyncset.done $0x0  }
.LBB2_2:
0x24: {  	s18 =	sshra.s32 s17, $0x2  }
0x25: {  	[sflag:s10] =	ssyncadd.s32 $0xFFFFFC00;
	s16 =	sadd.s32 $0x400, s16;
	p0 =	sne.s32 s17, $0x6200  }
0x26: {  	[spmem:s2] =	stream.indirect.scatter.add.f32 [tilespmem:s16], [sflag:$0x1], $0x8, s18, s12, $0xb8;
	[tilespmem:$0x1E108] =	vst v63  }
.Ltmp0:
0x27: {  	_ = 	snop;
	(pc) =	sbr.rel @p0 .LBB2_2-.Ltmp0, $4  }
0x28: {  	_ = 	snop  }
0x29: {  	s17 =	sadd.s32 $0x200, s17  }
0x2a: {  	_ =	swait.ge [sflag:s10], $0x400  }
0x2b: {  	[sflag:s10] =	ssyncset.done $0x0  }
0x2c: {  	[sflag:s10] =	ssyncadd.s32 $0xFFFFFC00  }
0x2d: {  	[bflag:$0x0] =	sbarrier.arrive $0xFFFF  }
0x2e: {  	[hbm:s13], [sflag:s5] =	dma.local [spmem:s9], $0x1000  }
0x2f: {  	s15 =	sadd.s32 $0x1, s15;
	_ =	swait.ge [sflag:s10], $0x1000  }
0x30: {  	p0 =	sne.s32 s15, s8;
	[sflag:s10] =	ssyncset.done $0x0  }
.Ltmp1:
0x31: {  	[sflag:s10] =	ssyncadd.s32 $0xFFFFF000;
	(pc) =	sbr.rel @p0 .LBB2_1-.Ltmp1, $4  }
0x32: {  	[hbm:s14], [sflag:s5] =	dma.local [spmem:s11], $0x1000  }
0x33: {  	_ =	swait.ge [sflag:s10], $0x1000  }
0x34: {  	[sflag:s10] =	ssyncset.done $0x0  }
0x35: {  	[sflag:s10] =	ssyncadd.s32 $0xFFFFF000  }
0x36: {  	_ =	sfence.sel $0x180000  }
0x37: {  	[bflag:$0x0] =	sbarrier.arrive $0xFFFF  }
0x38: {  	p0 =	sne.s32 s1, $0x0;
	_ =	strace $0x90000047  }
0x39: {  	s0 =	sadd.s32 @!p0 $0x100000, s0;
	[bflag:$0x2] =	sbarrier.arrive $0xFFFF  }
0x3a: {  	[sflag:s0] =	ssyncadd.tile.s32 @!p0 $0x1;
	_ =	shalt  }
.Lfunc_end2:
_tile_overlayer_lowered:
.L_overlay_start_2:
0x3b: {  	(tag) =	ssettag $0x2  }
0x3c: {  	s0 =	rddreg [dreg:$0x0];
	s2 =	stileid.u32  }
0x3d: {  	s1 =	rddreg [dreg:$0x1];
	p0 =	sne.s32 s2, $0x0  }
0x3e: {  	s3 =	rddreg [dreg:$0x2];
	[bflag:$0x3] =	sbarrier.arrive $0xFFFF;
	s2 =	simm.s32 @!p0 $0x1C01  }
0x3f: {  	[timem:s3], [sflag:s2] =	dma.local @!p0 [hbm:s0], s1  }
0x40: {  	s0 =	simm.s32 @!p0 $0x1  }
0x41: {  	_ =	swait.ge @!p0 [sflag:s0], s1  }
0x42: {  	s1 =	ssub.s32 @!p0 $0x0, s1;
	[sflag:s0] =	ssyncset.done @!p0 $0x0  }
0x43: {  	[sflag:s0] =	ssyncadd.s32 @!p0 s1  }
0x44: {  	[bflag:$0x3] =	sbarrier.arrive $0xFFFF  }
0x45: {  	_ =	shalt  }

</sc_bundles>
